<compile_context>
chip_gen: v7x
topology: tpu7x:2x2x1
jax: 0.10.2.dev20260603
libtpu: 0.0.44.dev20260713+nightly
codegen_flags: <defaults>
</compile_context>

<pallas_src>
import functools

import jax
import jax.numpy as jnp
from jax import lax
from jax.experimental import pallas as pl
from jax.experimental.pallas import tpu as pltpu
from jax.experimental.pallas import tpu_sc as plsc

B = 16384
G = 20
D = 64
NC = 2
NS = 16
NW = NC * NS
BPW = B // NW
WC = 32
NCHUNK = BPW // WC
IPC = WC * G
IB = 128
NGATH = IPC // IB
LG = D // 16


def _sc_body(crid_hbm, coff_hbm, nrid_hbm, noff_hbm, win2_hbm, wsub2_hbm,
             out2_hbm, cidx_v, nidx_v, coff_v, noff_v, crow_v, srow_v,
             orow_v, sem):
    wid = lax.axis_index("s") * NC + lax.axis_index("c")
    base = wid * BPW
    lanes = lax.iota(jnp.int32, 16)

    def chunk_body(ci, carry):
        wbase = base + ci * WC
        pltpu.sync_copy(crid_hbm.at[pl.ds(wbase, WC)], cidx_v)
        pltpu.sync_copy(nrid_hbm.at[pl.ds(wbase * G, IPC)], nidx_v)
        pltpu.sync_copy(coff_hbm.at[pl.ds(wbase, WC)], coff_v)
        pltpu.sync_copy(noff_hbm.at[pl.ds(wbase * G, IPC)], noff_v)

        cps = [pltpu.async_copy(win2_hbm.at[cidx_v], crow_v, sem)]
        for j in range(NGATH):
            cps.append(pltpu.async_copy(
                wsub2_hbm.at[nidx_v.at[pl.ds(j * IB, IB)]],
                srow_v.at[pl.ds(j * IB, IB)], sem))
        for cp in cps:
            cp.wait()

        def word_body(w, c):
            w16 = jnp.full((16,), w, jnp.int32)
            co = plsc.load_gather(coff_v, [w16])
            accs = [plsc.load_gather(crow_v, [w16, co + (16 * l + lanes)])
                    for l in range(LG)]
            for g in range(G):
                r = w * G + g
                r16 = jnp.full((16,), r, jnp.int32)
                no = plsc.load_gather(noff_v, [r16])
                for l in range(LG):
                    accs[l] = accs[l] + plsc.load_gather(
                        srow_v, [r16, no + (16 * l + lanes)])
            o16 = jnp.full((16,), w >> 1, jnp.int32)
            oo = jnp.full((16,), (w & 1) * 64, jnp.int32)
            for l in range(LG):
                plsc.store_scatter(orow_v, [o16, oo + (16 * l + lanes)],
                                   accs[l])
            return c

        lax.fori_loop(0, WC, word_body, 0)
        obase = pl.multiple_of(wbase // 2, WC // 2)
        pltpu.sync_copy(orow_v, out2_hbm.at[pl.ds(obase, WC // 2)])
        return carry

    lax.fori_loop(0, NCHUNK, chunk_body, 0)


_mesh = plsc.VectorSubcoreMesh(core_axis_name="c", subcore_axis_name="s")

_sc_call = functools.partial(
    pl.kernel,
    mesh=_mesh,
    out_type=jax.ShapeDtypeStruct((B // 2, 128), jnp.float32),
    scratch_types=[
        pltpu.VMEM((WC,), jnp.int32),
        pltpu.VMEM((IPC,), jnp.int32),
        pltpu.VMEM((WC,), jnp.int32),
        pltpu.VMEM((IPC,), jnp.int32),
        pltpu.VMEM((WC, 128), jnp.float32),
        pltpu.VMEM((IPC, 128), jnp.float32),
        pltpu.VMEM((WC // 2, 128), jnp.float32),
        pltpu.SemaphoreType.DMA,
    ],
    compiler_params=pltpu.CompilerParams(needs_layout_passes=False),
)(_sc_body)


def kernel(center_ids, ngram_ids, W_in, W_sub):
    cent = center_ids.astype(jnp.int32)
    ngr = ngram_ids.astype(jnp.int32).reshape(B * G)
    crid = cent >> 1
    coff = (cent & 1) * 64
    nrid = ngr >> 1
    noff = (ngr & 1) * 64
    win2 = W_in.reshape(W_in.shape[0] // 2, 128)
    wsub2 = W_sub.reshape(W_sub.shape[0] // 2, 128)
    out2 = _sc_call(crid, coff, nrid, noff, win2, wsub2)
    return out2.reshape(B, D)

# --- scband reference (transcript-rebuilt; emitter-appended) ---
"""Pipeline reference for scband-fast-text-trainer-7215545057602 (READ-ONLY COPY).

The authoritative reference and input builder live on the scoring server;
editing this copy changes nothing except your own understanding.
"""

import jax, jax.numpy as jnp
import numpy as np

VOCAB = 1000000
BUCKET = 2000000
D = 64
B = 16384
G = 20

def setup_inputs(seed: int = 0) -> dict:
    key = jax.random.key(seed)
    k1, k2, k3, k4 = jax.random.split(key, 4)
    bound = 0.5 / D
    center_ids = jax.random.randint(k1, (B,), 0, VOCAB, dtype=jnp.int64) if jax.config.jax_enable_x64 else jax.random.randint(k1, (B,), 0, VOCAB).astype(jnp.int32)
    ngram_ids = jax.random.randint(k2, (B, G), 0, BUCKET).astype(center_ids.dtype)
    W_in = jax.random.uniform(k3, (VOCAB, D), dtype=jnp.float32, minval=-bound, maxval=bound)
    W_sub = jax.random.uniform(k4, (BUCKET, D), dtype=jnp.float32, minval=-bound, maxval=bound)
    return {"center_ids": center_ids, "ngram_ids": ngram_ids, "W_in": W_in, "W_sub": W_sub}

def reference(center_ids, ngram_ids, W_in, W_sub):
    # wv = W_in(center_ids)
    wv = jnp.take(W_in, center_ids, axis=0)
    # sub = W_sub(flat ngram ids); per-word sum of subword vectors
    sub = jnp.take(W_sub, ngram_ids, axis=0)  # (B, G, D)
    out = sub.sum(axis=1)                     # (B, D) == segment-sum over fixed-length lists
    return wv + out

if __name__ == "__main__":
    import jax
    _d = setup_inputs()
    print(jax.jit(kernel)(*tuple(_d.values())))

</pallas_src>

<mosaic_0001>
#map = affine_map<(d0, d1) -> (0)>
#map1 = affine_map<(d0, d1) -> (0, 0)>
module attributes {stable_mosaic.version = 14 : i64} {
  func.func @_sc_body(%arg0: i32, %arg1: i32, %arg2: memref<16384xi32, #tpu.memory_space<hbm>>, %arg3: memref<16384xi32, #tpu.memory_space<hbm>>, %arg4: memref<327680xi32, #tpu.memory_space<hbm>>, %arg5: memref<327680xi32, #tpu.memory_space<hbm>>, %arg6: memref<500000x128xf32, #tpu.memory_space<hbm>>, %arg7: memref<1000000x128xf32, #tpu.memory_space<hbm>>, %arg8: memref<8192x128xf32, #tpu.memory_space<hbm>>, %arg9: memref<32xi32, #tpu.memory_space<vmem>>, %arg10: memref<640xi32, #tpu.memory_space<vmem>>, %arg11: memref<32xi32, #tpu.memory_space<vmem>>, %arg12: memref<640xi32, #tpu.memory_space<vmem>>, %arg13: memref<32x128xf32, #tpu.memory_space<vmem>>, %arg14: memref<640x128xf32, #tpu.memory_space<vmem>>, %arg15: memref<16x128xf32, #tpu.memory_space<vmem>>, %arg16: memref<!tpu.dma_semaphore, #tpu.memory_space<semaphore_mem>>) attributes {dimension_semantics = [#tpu.dimension_semantics<core_parallel>, #tpu.dimension_semantics<subcore_parallel>], iteration_bounds = array<i64: 2, 16>, scalar_prefetch = 0 : i64, scratch_operands = 8 : i64, tpu.core_type = #tpu.core_type<sc_vector_subcore>, window_params = [{transform_indices = #map}, {transform_indices = #map}, {transform_indices = #map}, {transform_indices = #map}, {transform_indices = #map1}, {transform_indices = #map1}, {transform_indices = #map1}]} {
    %mul3A = arith.constant 2 : i32
    %mul3A_0 = arith.muli %arg1, %mul3A : i32
    %add3A = arith.addi %mul3A_0, %arg0 : i32
    %mul3A_1 = arith.constant 512 : i32
    %mul3A_2 = arith.muli %add3A, %mul3A_1 : i32
    %iota3A = tpu.iota {dimensions = array<i32: 0>} : vector<16xi32>
    %scan3A = arith.constant 0 : i32
    %scan3A_3 = arith.constant 0 : i32
    %scan3A_4 = arith.constant 16 : i32
    %scan3A_5 = arith.addi %scan3A_3, %scan3A_4 : i32
    %scan3A_6 = arith.constant 1 : i32
    scf.for %scan3A_8 = %scan3A_3 to %scan3A_5 step %scan3A_6  : i32 {
      %mul3A_9 = arith.constant 32 : i32
      %mul3A_10 = arith.muli %scan3A_8, %mul3A_9 : i32
      %add3A_11 = arith.addi %mul3A_2, %mul3A_10 : i32
      "tpu.region"() ({
        %run_scoped3A = tpu.sem_alloc : memref<!tpu.dma_semaphore, #tpu.memory_space<semaphore_mem>>
        %dma_start3A_122 = tpu.memref_slice %arg2[%add3A_11] : memref<16384xi32, #tpu.memory_space<hbm>> -> memref<32xi32, #tpu.memory_space<hbm>>
        %dma_start3A_123 = tpu.memref_slice %arg2[%add3A_11] : memref<16384xi32, #tpu.memory_space<hbm>> -> memref<32xi32, #tpu.memory_space<hbm>>
        tpu.enqueue_dma source(%dma_start3A_123 : memref<32xi32, #tpu.memory_space<hbm>>) target(%arg9 : memref<32xi32, #tpu.memory_space<vmem>>) target_semaphore(%run_scoped3A : memref<!tpu.dma_semaphore, #tpu.memory_space<semaphore_mem>>)
        %dma_wait3A_124 = tpu.memref_slice %arg2[%add3A_11] : memref<16384xi32, #tpu.memory_space<hbm>> -> memref<32xi32, #tpu.memory_space<hbm>>
        %dma_wait3A_125 = tpu.memref_slice %arg2[%add3A_11] : memref<16384xi32, #tpu.memory_space<hbm>> -> memref<32xi32, #tpu.memory_space<hbm>>
        tpu.wait_dma2 semaphore(%run_scoped3A : memref<!tpu.dma_semaphore, #tpu.memory_space<semaphore_mem>>) src(%dma_wait3A_125 : memref<32xi32, #tpu.memory_space<hbm>>) dst(%arg9 : memref<32xi32, #tpu.memory_space<vmem>>)
        tpu.yield
      }) : () -> ()
      %mul3A_12 = arith.constant 20 : i32
      %mul3A_13 = arith.muli %add3A_11, %mul3A_12 : i32
      "tpu.region"() ({
        %run_scoped3A = tpu.sem_alloc : memref<!tpu.dma_semaphore, #tpu.memory_space<semaphore_mem>>
        %dma_start3A_122 = tpu.memref_slice %arg4[%mul3A_13] : memref<327680xi32, #tpu.memory_space<hbm>> -> memref<640xi32, #tpu.memory_space<hbm>>
        %dma_start3A_123 = tpu.memref_slice %arg4[%mul3A_13] : memref<327680xi32, #tpu.memory_space<hbm>> -> memref<640xi32, #tpu.memory_space<hbm>>
        tpu.enqueue_dma source(%dma_start3A_123 : memref<640xi32, #tpu.memory_space<hbm>>) target(%arg10 : memref<640xi32, #tpu.memory_space<vmem>>) target_semaphore(%run_scoped3A : memref<!tpu.dma_semaphore, #tpu.memory_space<semaphore_mem>>)
        %dma_wait3A_124 = tpu.memref_slice %arg4[%mul3A_13] : memref<327680xi32, #tpu.memory_space<hbm>> -> memref<640xi32, #tpu.memory_space<hbm>>
        %dma_wait3A_125 = tpu.memref_slice %arg4[%mul3A_13] : memref<327680xi32, #tpu.memory_space<hbm>> -> memref<640xi32, #tpu.memory_space<hbm>>
        tpu.wait_dma2 semaphore(%run_scoped3A : memref<!tpu.dma_semaphore, #tpu.memory_space<semaphore_mem>>) src(%dma_wait3A_125 : memref<640xi32, #tpu.memory_space<hbm>>) dst(%arg10 : memref<640xi32, #tpu.memory_space<vmem>>)
        tpu.yield
      }) : () -> ()
      "tpu.region"() ({
        %run_scoped3A = tpu.sem_alloc : memref<!tpu.dma_semaphore, #tpu.memory_space<semaphore_mem>>
        %dma_start3A_122 = tpu.memref_slice %arg3[%add3A_11] : memref<16384xi32, #tpu.memory_space<hbm>> -> memref<32xi32, #tpu.memory_space<hbm>>
        %dma_start3A_123 = tpu.memref_slice %arg3[%add3A_11] : memref<16384xi32, #tpu.memory_space<hbm>> -> memref<32xi32, #tpu.memory_space<hbm>>
        tpu.enqueue_dma source(%dma_start3A_123 : memref<32xi32, #tpu.memory_space<hbm>>) target(%arg11 : memref<32xi32, #tpu.memory_space<vmem>>) target_semaphore(%run_scoped3A : memref<!tpu.dma_semaphore, #tpu.memory_space<semaphore_mem>>)
        %dma_wait3A_124 = tpu.memref_slice %arg3[%add3A_11] : memref<16384xi32, #tpu.memory_space<hbm>> -> memref<32xi32, #tpu.memory_space<hbm>>
        %dma_wait3A_125 = tpu.memref_slice %arg3[%add3A_11] : memref<16384xi32, #tpu.memory_space<hbm>> -> memref<32xi32, #tpu.memory_space<hbm>>
        tpu.wait_dma2 semaphore(%run_scoped3A : memref<!tpu.dma_semaphore, #tpu.memory_space<semaphore_mem>>) src(%dma_wait3A_125 : memref<32xi32, #tpu.memory_space<hbm>>) dst(%arg11 : memref<32xi32, #tpu.memory_space<vmem>>)
        tpu.yield
      }) : () -> ()
      %mul3A_14 = arith.constant 20 : i32
      %mul3A_15 = arith.muli %add3A_11, %mul3A_14 : i32
      "tpu.region"() ({
        %run_scoped3A = tpu.sem_alloc : memref<!tpu.dma_semaphore, #tpu.memory_space<semaphore_mem>>
        %dma_start3A_122 = tpu.memref_slice %arg5[%mul3A_15] : memref<327680xi32, #tpu.memory_space<hbm>> -> memref<640xi32, #tpu.memory_space<hbm>>
        %dma_start3A_123 = tpu.memref_slice %arg5[%mul3A_15] : memref<327680xi32, #tpu.memory_space<hbm>> -> memref<640xi32, #tpu.memory_space<hbm>>
        tpu.enqueue_dma source(%dma_start3A_123 : memref<640xi32, #tpu.memory_space<hbm>>) target(%arg12 : memref<640xi32, #tpu.memory_space<vmem>>) target_semaphore(%run_scoped3A : memref<!tpu.dma_semaphore, #tpu.memory_space<semaphore_mem>>)
        %dma_wait3A_124 = tpu.memref_slice %arg5[%mul3A_15] : memref<327680xi32, #tpu.memory_space<hbm>> -> memref<640xi32, #tpu.memory_space<hbm>>
        %dma_wait3A_125 = tpu.memref_slice %arg5[%mul3A_15] : memref<327680xi32, #tpu.memory_space<hbm>> -> memref<640xi32, #tpu.memory_space<hbm>>
        tpu.wait_dma2 semaphore(%run_scoped3A : memref<!tpu.dma_semaphore, #tpu.memory_space<semaphore_mem>>) src(%dma_wait3A_125 : memref<640xi32, #tpu.memory_space<hbm>>) dst(%arg12 : memref<640xi32, #tpu.memory_space<vmem>>)
        tpu.yield
      }) : () -> ()
      %dma_start3A = arith.constant 0 : i32
      %dma_start3A_16 = arith.constant 0 : i32
      %dma_start3A_17 = tpu.memref_slice %arg6[%dma_start3A, %dma_start3A_16] : memref<500000x128xf32, #tpu.memory_space<hbm>> -> memref<500000x128xf32, #tpu.memory_space<hbm>>
      tpu.enqueue_indirect_dma source(%dma_start3A_17 : memref<500000x128xf32, #tpu.memory_space<hbm>>) target(%arg13 : memref<32x128xf32, #tpu.memory_space<vmem>>) offsets(%arg9 : memref<32xi32, #tpu.memory_space<vmem>>) semaphore(%arg16 : memref<!tpu.dma_semaphore, #tpu.memory_space<semaphore_mem>>)
      %dma_start3A_18 = arith.constant 0 : i32
      %dma_start3A_19 = arith.constant 0 : i32
      %dma_start3A_20 = tpu.memref_slice %arg14[%dma_start3A_18, %dma_start3A_19] : memref<640x128xf32, #tpu.memory_space<vmem>> -> memref<128x128xf32, #tpu.memory_space<vmem>>
      %dma_start3A_21 = arith.constant 0 : i32
      %dma_start3A_22 = tpu.memref_slice %arg10[%dma_start3A_21] : memref<640xi32, #tpu.memory_space<vmem>> -> memref<128xi32, #tpu.memory_space<vmem>>
      %dma_start3A_23 = arith.constant 0 : i32
      %dma_start3A_24 = arith.constant 0 : i32
      %dma_start3A_25 = tpu.memref_slice %arg7[%dma_start3A_23, %dma_start3A_24] : memref<1000000x128xf32, #tpu.memory_space<hbm>> -> memref<1000000x128xf32, #tpu.memory_space<hbm>>
      tpu.enqueue_indirect_dma source(%dma_start3A_25 : memref<1000000x128xf32, #tpu.memory_space<hbm>>) target(%dma_start3A_20 : memref<128x128xf32, #tpu.memory_space<vmem>>) offsets(%dma_start3A_22 : memref<128xi32, #tpu.memory_space<vmem>>) semaphore(%arg16 : memref<!tpu.dma_semaphore, #tpu.memory_space<semaphore_mem>>)
      %dma_start3A_26 = arith.constant 128 : i32
      %dma_start3A_27 = arith.constant 0 : i32
      %dma_start3A_28 = tpu.memref_slice %arg14[%dma_start3A_26, %dma_start3A_27] : memref<640x128xf32, #tpu.memory_space<vmem>> -> memref<128x128xf32, #tpu.memory_space<vmem>>
      %dma_start3A_29 = arith.constant 128 : i32
      %dma_start3A_30 = tpu.memref_slice %arg10[%dma_start3A_29] : memref<640xi32, #tpu.memory_space<vmem>> -> memref<128xi32, #tpu.memory_space<vmem>>
      %dma_start3A_31 = arith.constant 0 : i32
      %dma_start3A_32 = arith.constant 0 : i32
      %dma_start3A_33 = tpu.memref_slice %arg7[%dma_start3A_31, %dma_start3A_32] : memref<1000000x128xf32, #tpu.memory_space<hbm>> -> memref<1000000x128xf32, #tpu.memory_space<hbm>>
      tpu.enqueue_indirect_dma source(%dma_start3A_33 : memref<1000000x128xf32, #tpu.memory_space<hbm>>) target(%dma_start3A_28 : memref<128x128xf32, #tpu.memory_space<vmem>>) offsets(%dma_start3A_30 : memref<128xi32, #tpu.memory_space<vmem>>) semaphore(%arg16 : memref<!tpu.dma_semaphore, #tpu.memory_space<semaphore_mem>>)
      %dma_start3A_34 = arith.constant 256 : i32
      %dma_start3A_35 = arith.constant 0 : i32
      %dma_start3A_36 = tpu.memref_slice %arg14[%dma_start3A_34, %dma_start3A_35] : memref<640x128xf32, #tpu.memory_space<vmem>> -> memref<128x128xf32, #tpu.memory_space<vmem>>
      %dma_start3A_37 = arith.constant 256 : i32
      %dma_start3A_38 = tpu.memref_slice %arg10[%dma_start3A_37] : memref<640xi32, #tpu.memory_space<vmem>> -> memref<128xi32, #tpu.memory_space<vmem>>
      %dma_start3A_39 = arith.constant 0 : i32
      %dma_start3A_40 = arith.constant 0 : i32
      %dma_start3A_41 = tpu.memref_slice %arg7[%dma_start3A_39, %dma_start3A_40] : memref<1000000x128xf32, #tpu.memory_space<hbm>> -> memref<1000000x128xf32, #tpu.memory_space<hbm>>
      tpu.enqueue_indirect_dma source(%dma_start3A_41 : memref<1000000x128xf32, #tpu.memory_space<hbm>>) target(%dma_start3A_36 : memref<128x128xf32, #tpu.memory_space<vmem>>) offsets(%dma_start3A_38 : memref<128xi32, #tpu.memory_space<vmem>>) semaphore(%arg16 : memref<!tpu.dma_semaphore, #tpu.memory_space<semaphore_mem>>)
      %dma_start3A_42 = arith.constant 384 : i32
      %dma_start3A_43 = arith.constant 0 : i32
      %dma_start3A_44 = tpu.memref_slice %arg14[%dma_start3A_42, %dma_start3A_43] : memref<640x128xf32, #tpu.memory_space<vmem>> -> memref<128x128xf32, #tpu.memory_space<vmem>>
      %dma_start3A_45 = arith.constant 384 : i32
      %dma_start3A_46 = tpu.memref_slice %arg10[%dma_start3A_45] : memref<640xi32, #tpu.memory_space<vmem>> -> memref<128xi32, #tpu.memory_space<vmem>>
      %dma_start3A_47 = arith.constant 0 : i32
      %dma_start3A_48 = arith.constant 0 : i32
      %dma_start3A_49 = tpu.memref_slice %arg7[%dma_start3A_47, %dma_start3A_48] : memref<1000000x128xf32, #tpu.memory_space<hbm>> -> memref<1000000x128xf32, #tpu.memory_space<hbm>>
      tpu.enqueue_indirect_dma source(%dma_start3A_49 : memref<1000000x128xf32, #tpu.memory_space<hbm>>) target(%dma_start3A_44 : memref<128x128xf32, #tpu.memory_space<vmem>>) offsets(%dma_start3A_46 : memref<128xi32, #tpu.memory_space<vmem>>) semaphore(%arg16 : memref<!tpu.dma_semaphore, #tpu.memory_space<semaphore_mem>>)
      %dma_start3A_50 = arith.constant 512 : i32
      %dma_start3A_51 = arith.constant 0 : i32
      %dma_start3A_52 = tpu.memref_slice %arg14[%dma_start3A_50, %dma_start3A_51] : memref<640x128xf32, #tpu.memory_space<vmem>> -> memref<128x128xf32, #tpu.memory_space<vmem>>
      %dma_start3A_53 = arith.constant 512 : i32
      %dma_start3A_54 = tpu.memref_slice %arg10[%dma_start3A_53] : memref<640xi32, #tpu.memory_space<vmem>> -> memref<128xi32, #tpu.memory_space<vmem>>
      %dma_start3A_55 = arith.constant 0 : i32
      %dma_start3A_56 = arith.constant 0 : i32
      %dma_start3A_57 = tpu.memref_slice %arg7[%dma_start3A_55, %dma_start3A_56] : memref<1000000x128xf32, #tpu.memory_space<hbm>> -> memref<1000000x128xf32, #tpu.memory_space<hbm>>
      tpu.enqueue_indirect_dma source(%dma_start3A_57 : memref<1000000x128xf32, #tpu.memory_space<hbm>>) target(%dma_start3A_52 : memref<128x128xf32, #tpu.memory_space<vmem>>) offsets(%dma_start3A_54 : memref<128xi32, #tpu.memory_space<vmem>>) semaphore(%arg16 : memref<!tpu.dma_semaphore, #tpu.memory_space<semaphore_mem>>)
      %dma_wait3A = arith.constant 0 : i32
      %dma_wait3A_58 = arith.constant 0 : i32
      %dma_wait3A_59 = tpu.memref_slice %arg6[%dma_wait3A, %dma_wait3A_58] : memref<500000x128xf32, #tpu.memory_space<hbm>> -> memref<500000x128xf32, #tpu.memory_space<hbm>>
      tpu.wait_indirect_dma semaphore(%arg16 : memref<!tpu.dma_semaphore, #tpu.memory_space<semaphore_mem>>) src(%dma_wait3A_59 : memref<500000x128xf32, #tpu.memory_space<hbm>>) dst(%arg13 : memref<32x128xf32, #tpu.memory_space<vmem>>)
      %dma_wait3A_60 = arith.constant 0 : i32
      %dma_wait3A_61 = arith.constant 0 : i32
      %dma_wait3A_62 = tpu.memref_slice %arg14[%dma_wait3A_60, %dma_wait3A_61] : memref<640x128xf32, #tpu.memory_space<vmem>> -> memref<128x128xf32, #tpu.memory_space<vmem>>
      %dma_wait3A_63 = arith.constant 0 : i32
      %dma_wait3A_64 = tpu.memref_slice %arg10[%dma_wait3A_63] : memref<640xi32, #tpu.memory_space<vmem>> -> memref<128xi32, #tpu.memory_space<vmem>>
      %dma_wait3A_65 = arith.constant 0 : i32
      %dma_wait3A_66 = arith.constant 0 : i32
      %dma_wait3A_67 = tpu.memref_slice %arg7[%dma_wait3A_65, %dma_wait3A_66] : memref<1000000x128xf32, #tpu.memory_space<hbm>> -> memref<1000000x128xf32, #tpu.memory_space<hbm>>
      tpu.wait_indirect_dma semaphore(%arg16 : memref<!tpu.dma_semaphore, #tpu.memory_space<semaphore_mem>>) src(%dma_wait3A_67 : memref<1000000x128xf32, #tpu.memory_space<hbm>>) dst(%dma_wait3A_62 : memref<128x128xf32, #tpu.memory_space<vmem>>)
      %dma_wait3A_68 = arith.constant 128 : i32
      %dma_wait3A_69 = arith.constant 0 : i32
      %dma_wait3A_70 = tpu.memref_slice %arg14[%dma_wait3A_68, %dma_wait3A_69] : memref<640x128xf32, #tpu.memory_space<vmem>> -> memref<128x128xf32, #tpu.memory_space<vmem>>
      %dma_wait3A_71 = arith.constant 128 : i32
      %dma_wait3A_72 = tpu.memref_slice %arg10[%dma_wait3A_71] : memref<640xi32, #tpu.memory_space<vmem>> -> memref<128xi32, #tpu.memory_space<vmem>>
      %dma_wait3A_73 = arith.constant 0 : i32
      %dma_wait3A_74 = arith.constant 0 : i32
      %dma_wait3A_75 = tpu.memref_slice %arg7[%dma_wait3A_73, %dma_wait3A_74] : memref<1000000x128xf32, #tpu.memory_space<hbm>> -> memref<1000000x128xf32, #tpu.memory_space<hbm>>
      tpu.wait_indirect_dma semaphore(%arg16 : memref<!tpu.dma_semaphore, #tpu.memory_space<semaphore_mem>>) src(%dma_wait3A_75 : memref<1000000x128xf32, #tpu.memory_space<hbm>>) dst(%dma_wait3A_70 : memref<128x128xf32, #tpu.memory_space<vmem>>)
      %dma_wait3A_76 = arith.constant 256 : i32
      %dma_wait3A_77 = arith.constant 0 : i32
      %dma_wait3A_78 = tpu.memref_slice %arg14[%dma_wait3A_76, %dma_wait3A_77] : memref<640x128xf32, #tpu.memory_space<vmem>> -> memref<128x128xf32, #tpu.memory_space<vmem>>
      %dma_wait3A_79 = arith.constant 256 : i32
      %dma_wait3A_80 = tpu.memref_slice %arg10[%dma_wait3A_79] : memref<640xi32, #tpu.memory_space<vmem>> -> memref<128xi32, #tpu.memory_space<vmem>>
      %dma_wait3A_81 = arith.constant 0 : i32
      %dma_wait3A_82 = arith.constant 0 : i32
      %dma_wait3A_83 = tpu.memref_slice %arg7[%dma_wait3A_81, %dma_wait3A_82] : memref<1000000x128xf32, #tpu.memory_space<hbm>> -> memref<1000000x128xf32, #tpu.memory_space<hbm>>
      tpu.wait_indirect_dma semaphore(%arg16 : memref<!tpu.dma_semaphore, #tpu.memory_space<semaphore_mem>>) src(%dma_wait3A_83 : memref<1000000x128xf32, #tpu.memory_space<hbm>>) dst(%dma_wait3A_78 : memref<128x128xf32, #tpu.memory_space<vmem>>)
      %dma_wait3A_84 = arith.constant 384 : i32
      %dma_wait3A_85 = arith.constant 0 : i32
      %dma_wait3A_86 = tpu.memref_slice %arg14[%dma_wait3A_84, %dma_wait3A_85] : memref<640x128xf32, #tpu.memory_space<vmem>> -> memref<128x128xf32, #tpu.memory_space<vmem>>
      %dma_wait3A_87 = arith.constant 384 : i32
      %dma_wait3A_88 = tpu.memref_slice %arg10[%dma_wait3A_87] : memref<640xi32, #tpu.memory_space<vmem>> -> memref<128xi32, #tpu.memory_space<vmem>>
      %dma_wait3A_89 = arith.constant 0 : i32
      %dma_wait3A_90 = arith.constant 0 : i32
      %dma_wait3A_91 = tpu.memref_slice %arg7[%dma_wait3A_89, %dma_wait3A_90] : memref<1000000x128xf32, #tpu.memory_space<hbm>> -> memref<1000000x128xf32, #tpu.memory_space<hbm>>
      tpu.wait_indirect_dma semaphore(%arg16 : memref<!tpu.dma_semaphore, #tpu.memory_space<semaphore_mem>>) src(%dma_wait3A_91 : memref<1000000x128xf32, #tpu.memory_space<hbm>>) dst(%dma_wait3A_86 : memref<128x128xf32, #tpu.memory_space<vmem>>)
      %dma_wait3A_92 = arith.constant 512 : i32
      %dma_wait3A_93 = arith.constant 0 : i32
      %dma_wait3A_94 = tpu.memref_slice %arg14[%dma_wait3A_92, %dma_wait3A_93] : memref<640x128xf32, #tpu.memory_space<vmem>> -> memref<128x128xf32, #tpu.memory_space<vmem>>
      %dma_wait3A_95 = arith.constant 512 : i32
      %dma_wait3A_96 = tpu.memref_slice %arg10[%dma_wait3A_95] : memref<640xi32, #tpu.memory_space<vmem>> -> memref<128xi32, #tpu.memory_space<vmem>>
      %dma_wait3A_97 = arith.constant 0 : i32
      %dma_wait3A_98 = arith.constant 0 : i32
      %dma_wait3A_99 = tpu.memref_slice %arg7[%dma_wait3A_97, %dma_wait3A_98] : memref<1000000x128xf32, #tpu.memory_space<hbm>> -> memref<1000000x128xf32, #tpu.memory_space<hbm>>
      tpu.wait_indirect_dma semaphore(%arg16 : memref<!tpu.dma_semaphore, #tpu.memory_space<semaphore_mem>>) src(%dma_wait3A_99 : memref<1000000x128xf32, #tpu.memory_space<hbm>>) dst(%dma_wait3A_94 : memref<128x128xf32, #tpu.memory_space<vmem>>)
      %scan3A_100 = arith.constant 0 : i32
      %scan3A_101 = arith.constant 0 : i32
      %scan3A_102 = arith.constant 32 : i32
      %scan3A_103 = arith.addi %scan3A_101, %scan3A_102 : i32
      %scan3A_104 = arith.constant 1 : i32
      scf.for %scan3A_122 = %scan3A_101 to %scan3A_103 step %scan3A_104  : i32 {
        %broadcast_in_dim3A = vector.broadcast %scan3A_122 : i32 to vector<16xi32>
        %gather3A = tpu.vector_load_idx %arg11[%broadcast_in_dim3A] : memref<32xi32, #tpu.memory_space<vmem>>[vector<16xi32>], vector<16xi32>,
        %add3A_123 = arith.constant 0 : i32
        %add3A_124 = vector.broadcast %add3A_123 : i32 to vector<16xi32>
        %add3A_125 = arith.addi %add3A_124, %iota3A : vector<16xi32>
        %add3A_126 = arith.addi %gather3A, %add3A_125 : vector<16xi32>
        %gather3A_127 = tpu.vector_load_idx %arg13[%broadcast_in_dim3A, %add3A_126] : memref<32x128xf32, #tpu.memory_space<vmem>>[vector<16xi32>, vector<16xi32>], vector<16xf32>,
        %add3A_128 = arith.constant 16 : i32
        %add3A_129 = vector.broadcast %add3A_128 : i32 to vector<16xi32>
        %add3A_130 = arith.addi %add3A_129, %iota3A : vector<16xi32>
        %add3A_131 = arith.addi %gather3A, %add3A_130 : vector<16xi32>
        %gather3A_132 = tpu.vector_load_idx %arg13[%broadcast_in_dim3A, %add3A_131] : memref<32x128xf32, #tpu.memory_space<vmem>>[vector<16xi32>, vector<16xi32>], vector<16xf32>,
        %add3A_133 = arith.constant 32 : i32
        %add3A_134 = vector.broadcast %add3A_133 : i32 to vector<16xi32>
        %add3A_135 = arith.addi %add3A_134, %iota3A : vector<16xi32>
        %add3A_136 = arith.addi %gather3A, %add3A_135 : vector<16xi32>
        %gather3A_137 = tpu.vector_load_idx %arg13[%broadcast_in_dim3A, %add3A_136] : memref<32x128xf32, #tpu.memory_space<vmem>>[vector<16xi32>, vector<16xi32>], vector<16xf32>,
        %add3A_138 = arith.constant 48 : i32
        %add3A_139 = vector.broadcast %add3A_138 : i32 to vector<16xi32>
        %add3A_140 = arith.addi %add3A_139, %iota3A : vector<16xi32>
        %add3A_141 = arith.addi %gather3A, %add3A_140 : vector<16xi32>
        %gather3A_142 = tpu.vector_load_idx %arg13[%broadcast_in_dim3A, %add3A_141] : memref<32x128xf32, #tpu.memory_space<vmem>>[vector<16xi32>, vector<16xi32>], vector<16xf32>,
        %mul3A_143 = arith.constant 20 : i32
        %mul3A_144 = arith.muli %scan3A_122, %mul3A_143 : i32
        %add3A_145 = arith.constant 0 : i32
        %add3A_146 = arith.addi %mul3A_144, %add3A_145 : i32
        %broadcast_in_dim3A_147 = vector.broadcast %add3A_146 : i32 to vector<16xi32>
        %gather3A_148 = tpu.vector_load_idx %arg12[%broadcast_in_dim3A_147] : memref<640xi32, #tpu.memory_space<vmem>>[vector<16xi32>], vector<16xi32>,
        %add3A_149 = arith.constant 0 : i32
        %add3A_150 = vector.broadcast %add3A_149 : i32 to vector<16xi32>
        %add3A_151 = arith.addi %add3A_150, %iota3A : vector<16xi32>
        %add3A_152 = arith.addi %gather3A_148, %add3A_151 : vector<16xi32>
        %gather3A_153 = tpu.vector_load_idx %arg14[%broadcast_in_dim3A_147, %add3A_152] : memref<640x128xf32, #tpu.memory_space<vmem>>[vector<16xi32>, vector<16xi32>], vector<16xf32>,
        %add3A_154 = arith.addf %gather3A_127, %gather3A_153 : vector<16xf32>
        %add3A_155 = arith.constant 16 : i32
        %add3A_156 = vector.broadcast %add3A_155 : i32 to vector<16xi32>
        %add3A_157 = arith.addi %add3A_156, %iota3A : vector<16xi32>
        %add3A_158 = arith.addi %gather3A_148, %add3A_157 : vector<16xi32>
        %gather3A_159 = tpu.vector_load_idx %arg14[%broadcast_in_dim3A_147, %add3A_158] : memref<640x128xf32, #tpu.memory_space<vmem>>[vector<16xi32>, vector<16xi32>], vector<16xf32>,
        %add3A_160 = arith.addf %gather3A_132, %gather3A_159 : vector<16xf32>
        %add3A_161 = arith.constant 32 : i32
        %add3A_162 = vector.broadcast %add3A_161 : i32 to vector<16xi32>
        %add3A_163 = arith.addi %add3A_162, %iota3A : vector<16xi32>
        %add3A_164 = arith.addi %gather3A_148, %add3A_163 : vector<16xi32>
        %gather3A_165 = tpu.vector_load_idx %arg14[%broadcast_in_dim3A_147, %add3A_164] : memref<640x128xf32, #tpu.memory_space<vmem>>[vector<16xi32>, vector<16xi32>], vector<16xf32>,
        %add3A_166 = arith.addf %gather3A_137, %gather3A_165 : vector<16xf32>
        %add3A_167 = arith.constant 48 : i32
        %add3A_168 = vector.broadcast %add3A_167 : i32 to vector<16xi32>
        %add3A_169 = arith.addi %add3A_168, %iota3A : vector<16xi32>
        %add3A_170 = arith.addi %gather3A_148, %add3A_169 : vector<16xi32>
        %gather3A_171 = tpu.vector_load_idx %arg14[%broadcast_in_dim3A_147, %add3A_170] : memref<640x128xf32, #tpu.memory_space<vmem>>[vector<16xi32>, vector<16xi32>], vector<16xf32>,
        %add3A_172 = arith.addf %gather3A_142, %gather3A_171 : vector<16xf32>
        %mul3A_173 = arith.constant 20 : i32
        %mul3A_174 = arith.muli %scan3A_122, %mul3A_173 : i32
        %add3A_175 = arith.constant 1 : i32
        %add3A_176 = arith.addi %mul3A_174, %add3A_175 : i32
        %broadcast_in_dim3A_177 = vector.broadcast %add3A_176 : i32 to vector<16xi32>
        %gather3A_178 = tpu.vector_load_idx %arg12[%broadcast_in_dim3A_177] : memref<640xi32, #tpu.memory_space<vmem>>[vector<16xi32>], vector<16xi32>,
        %add3A_179 = arith.constant 0 : i32
        %add3A_180 = vector.broadcast %add3A_179 : i32 to vector<16xi32>
        %add3A_181 = arith.addi %add3A_180, %iota3A : vector<16xi32>
        %add3A_182 = arith.addi %gather3A_178, %add3A_181 : vector<16xi32>
        %gather3A_183 = tpu.vector_load_idx %arg14[%broadcast_in_dim3A_177, %add3A_182] : memref<640x128xf32, #tpu.memory_space<vmem>>[vector<16xi32>, vector<16xi32>], vector<16xf32>,
        %add3A_184 = arith.addf %add3A_154, %gather3A_183 : vector<16xf32>
        %add3A_185 = arith.constant 16 : i32
        %add3A_186 = vector.broadcast %add3A_185 : i32 to vector<16xi32>
        %add3A_187 = arith.addi %add3A_186, %iota3A : vector<16xi32>
        %add3A_188 = arith.addi %gather3A_178, %add3A_187 : vector<16xi32>
        %gather3A_189 = tpu.vector_load_idx %arg14[%broadcast_in_dim3A_177, %add3A_188] : memref<640x128xf32, #tpu.memory_space<vmem>>[vector<16xi32>, vector<16xi32>], vector<16xf32>,
        %add3A_190 = arith.addf %add3A_160, %gather3A_189 : vector<16xf32>
        %add3A_191 = arith.constant 32 : i32
        %add3A_192 = vector.broadcast %add3A_191 : i32 to vector<16xi32>
        %add3A_193 = arith.addi %add3A_192, %iota3A : vector<16xi32>
        %add3A_194 = arith.addi %gather3A_178, %add3A_193 : vector<16xi32>
        %gather3A_195 = tpu.vector_load_idx %arg14[%broadcast_in_dim3A_177, %add3A_194] : memref<640x128xf32, #tpu.memory_space<vmem>>[vector<16xi32>, vector<16xi32>], vector<16xf32>,
        %add3A_196 = arith.addf %add3A_166, %gather3A_195 : vector<16xf32>
        %add3A_197 = arith.constant 48 : i32
        %add3A_198 = vector.broadcast %add3A_197 : i32 to vector<16xi32>
        %add3A_199 = arith.addi %add3A_198, %iota3A : vector<16xi32>
        %add3A_200 = arith.addi %gather3A_178, %add3A_199 : vector<16xi32>
        %gather3A_201 = tpu.vector_load_idx %arg14[%broadcast_in_dim3A_177, %add3A_200] : memref<640x128xf32, #tpu.memory_space<vmem>>[vector<16xi32>, vector<16xi32>], vector<16xf32>,
        %add3A_202 = arith.addf %add3A_172, %gather3A_201 : vector<16xf32>
        %mul3A_203 = arith.constant 20 : i32
        %mul3A_204 = arith.muli %scan3A_122, %mul3A_203 : i32
        %add3A_205 = arith.constant 2 : i32
        %add3A_206 = arith.addi %mul3A_204, %add3A_205 : i32
        %broadcast_in_dim3A_207 = vector.broadcast %add3A_206 : i32 to vector<16xi32>
        %gather3A_208 = tpu.vector_load_idx %arg12[%broadcast_in_dim3A_207] : memref<640xi32, #tpu.memory_space<vmem>>[vector<16xi32>], vector<16xi32>,
        %add3A_209 = arith.constant 0 : i32
        %add3A_210 = vector.broadcast %add3A_209 : i32 to vector<16xi32>
        %add3A_211 = arith.addi %add3A_210, %iota3A : vector<16xi32>
        %add3A_212 = arith.addi %gather3A_208, %add3A_211 : vector<16xi32>
        %gather3A_213 = tpu.vector_load_idx %arg14[%broadcast_in_dim3A_207, %add3A_212] : memref<640x128xf32, #tpu.memory_space<vmem>>[vector<16xi32>, vector<16xi32>], vector<16xf32>,
        %add3A_214 = arith.addf %add3A_184, %gather3A_213 : vector<16xf32>
        %add3A_215 = arith.constant 16 : i32
        %add3A_216 = vector.broadcast %add3A_215 : i32 to vector<16xi32>
        %add3A_217 = arith.addi %add3A_216, %iota3A : vector<16xi32>
        %add3A_218 = arith.addi %gather3A_208, %add3A_217 : vector<16xi32>
        %gather3A_219 = tpu.vector_load_idx %arg14[%broadcast_in_dim3A_207, %add3A_218] : memref<640x128xf32, #tpu.memory_space<vmem>>[vector<16xi32>, vector<16xi32>], vector<16xf32>,
        %add3A_220 = arith.addf %add3A_190, %gather3A_219 : vector<16xf32>
        %add3A_221 = arith.constant 32 : i32
        %add3A_222 = vector.broadcast %add3A_221 : i32 to vector<16xi32>
        %add3A_223 = arith.addi %add3A_222, %iota3A : vector<16xi32>
        %add3A_224 = arith.addi %gather3A_208, %add3A_223 : vector<16xi32>
        %gather3A_225 = tpu.vector_load_idx %arg14[%broadcast_in_dim3A_207, %add3A_224] : memref<640x128xf32, #tpu.memory_space<vmem>>[vector<16xi32>, vector<16xi32>], vector<16xf32>,
        %add3A_226 = arith.addf %add3A_196, %gather3A_225 : vector<16xf32>
        %add3A_227 = arith.constant 48 : i32
        %add3A_228 = vector.broadcast %add3A_227 : i32 to vector<16xi32>
        %add3A_229 = arith.addi %add3A_228, %iota3A : vector<16xi32>
        %add3A_230 = arith.addi %gather3A_208, %add3A_229 : vector<16xi32>
        %gather3A_231 = tpu.vector_load_idx %arg14[%broadcast_in_dim3A_207, %add3A_230] : memref<640x128xf32, #tpu.memory_space<vmem>>[vector<16xi32>, vector<16xi32>], vector<16xf32>,
        %add3A_232 = arith.addf %add3A_202, %gather3A_231 : vector<16xf32>
        %mul3A_233 = arith.constant 20 : i32
        %mul3A_234 = arith.muli %scan3A_122, %mul3A_233 : i32
        %add3A_235 = arith.constant 3 : i32
        %add3A_236 = arith.addi %mul3A_234, %add3A_235 : i32
        %broadcast_in_dim3A_237 = vector.broadcast %add3A_236 : i32 to vector<16xi32>
        %gather3A_238 = tpu.vector_load_idx %arg12[%broadcast_in_dim3A_237] : memref<640xi32, #tpu.memory_space<vmem>>[vector<16xi32>], vector<16xi32>,
        %add3A_239 = arith.constant 0 : i32
        %add3A_240 = vector.broadcast %add3A_239 : i32 to vector<16xi32>
        %add3A_241 = arith.addi %add3A_240, %iota3A : vector<16xi32>
        %add3A_242 = arith.addi %gather3A_238, %add3A_241 : vector<16xi32>
        %gather3A_243 = tpu.vector_load_idx %arg14[%broadcast_in_dim3A_237, %add3A_242] : memref<640x128xf32, #tpu.memory_space<vmem>>[vector<16xi32>, vector<16xi32>], vector<16xf32>,
        %add3A_244 = arith.addf %add3A_214, %gather3A_243 : vector<16xf32>
        %add3A_245 = arith.constant 16 : i32
        %add3A_246 = vector.broadcast %add3A_245 : i32 to vector<16xi32>
        %add3A_247 = arith.addi %add3A_246, %iota3A : vector<16xi32>
        %add3A_248 = arith.addi %gather3A_238, %add3A_247 : vector<16xi32>
        %gather3A_249 = tpu.vector_load_idx %arg14[%broadcast_in_dim3A_237, %add3A_248] : memref<640x128xf32, #tpu.memory_space<vmem>>[vector<16xi32>, vector<16xi32>], vector<16xf32>,
        %add3A_250 = arith.addf %add3A_220, %gather3A_249 : vector<16xf32>
        %add3A_251 = arith.constant 32 : i32
        %add3A_252 = vector.broadcast %add3A_251 : i32 to vector<16xi32>
        %add3A_253 = arith.addi %add3A_252, %iota3A : vector<16xi32>
        %add3A_254 = arith.addi %gather3A_238, %add3A_253 : vector<16xi32>
        %gather3A_255 = tpu.vector_load_idx %arg14[%broadcast_in_dim3A_237, %add3A_254] : memref<640x128xf32, #tpu.memory_space<vmem>>[vector<16xi32>, vector<16xi32>], vector<16xf32>,
        %add3A_256 = arith.addf %add3A_226, %gather3A_255 : vector<16xf32>
        %add3A_257 = arith.constant 48 : i32
        %add3A_258 = vector.broadcast %add3A_257 : i32 to vector<16xi32>
        %add3A_259 = arith.addi %add3A_258, %iota3A : vector<16xi32>
        %add3A_260 = arith.addi %gather3A_238, %add3A_259 : vector<16xi32>
        %gather3A_261 = tpu.vector_load_idx %arg14[%broadcast_in_dim3A_237, %add3A_260] : memref<640x128xf32, #tpu.memory_space<vmem>>[vector<16xi32>, vector<16xi32>], vector<16xf32>,
        %add3A_262 = arith.addf %add3A_232, %gather3A_261 : vector<16xf32>
        %mul3A_263 = arith.constant 20 : i32
        %mul3A_264 = arith.muli %scan3A_122, %mul3A_263 : i32
        %add3A_265 = arith.constant 4 : i32
        %add3A_266 = arith.addi %mul3A_264, %add3A_265 : i32
        %broadcast_in_dim3A_267 = vector.broadcast %add3A_266 : i32 to vector<16xi32>
        %gather3A_268 = tpu.vector_load_idx %arg12[%broadcast_in_dim3A_267] : memref<640xi32, #tpu.memory_space<vmem>>[vector<16xi32>], vector<16xi32>,
        %add3A_269 = arith.constant 0 : i32
        %add3A_270 = vector.broadcast %add3A_269 : i32 to vector<16xi32>
        %add3A_271 = arith.addi %add3A_270, %iota3A : vector<16xi32>
        %add3A_272 = arith.addi %gather3A_268, %add3A_271 : vector<16xi32>
        %gather3A_273 = tpu.vector_load_idx %arg14[%broadcast_in_dim3A_267, %add3A_272] : memref<640x128xf32, #tpu.memory_space<vmem>>[vector<16xi32>, vector<16xi32>], vector<16xf32>,
        %add3A_274 = arith.addf %add3A_244, %gather3A_273 : vector<16xf32>
        %add3A_275 = arith.constant 16 : i32
        %add3A_276 = vector.broadcast %add3A_275 : i32 to vector<16xi32>
        %add3A_277 = arith.addi %add3A_276, %iota3A : vector<16xi32>
        %add3A_278 = arith.addi %gather3A_268, %add3A_277 : vector<16xi32>
        %gather3A_279 = tpu.vector_load_idx %arg14[%broadcast_in_dim3A_267, %add3A_278] : memref<640x128xf32, #tpu.memory_space<vmem>>[vector<16xi32>, vector<16xi32>], vector<16xf32>,
        %add3A_280 = arith.addf %add3A_250, %gather3A_279 : vector<16xf32>
        %add3A_281 = arith.constant 32 : i32
        %add3A_282 = vector.broadcast %add3A_281 : i32 to vector<16xi32>
        %add3A_283 = arith.addi %add3A_282, %iota3A : vector<16xi32>
        %add3A_284 = arith.addi %gather3A_268, %add3A_283 : vector<16xi32>
        %gather3A_285 = tpu.vector_load_idx %arg14[%broadcast_in_dim3A_267, %add3A_284] : memref<640x128xf32, #tpu.memory_space<vmem>>[vector<16xi32>, vector<16xi32>], vector<16xf32>,
        %add3A_286 = arith.addf %add3A_256, %gather3A_285 : vector<16xf32>
        %add3A_287 = arith.constant 48 : i32
        %add3A_288 = vector.broadcast %add3A_287 : i32 to vector<16xi32>
        %add3A_289 = arith.addi %add3A_288, %iota3A : vector<16xi32>
        %add3A_290 = arith.addi %gather3A_268, %add3A_289 : vector<16xi32>
        %gather3A_291 = tpu.vector_load_idx %arg14[%broadcast_in_dim3A_267, %add3A_290] : memref<640x128xf32, #tpu.memory_space<vmem>>[vector<16xi32>, vector<16xi32>], vector<16xf32>,
        %add3A_292 = arith.addf %add3A_262, %gather3A_291 : vector<16xf32>
        %mul3A_293 = arith.constant 20 : i32
        %mul3A_294 = arith.muli %scan3A_122, %mul3A_293 : i32
        %add3A_295 = arith.constant 5 : i32
        %add3A_296 = arith.addi %mul3A_294, %add3A_295 : i32
        %broadcast_in_dim3A_297 = vector.broadcast %add3A_296 : i32 to vector<16xi32>
        %gather3A_298 = tpu.vector_load_idx %arg12[%broadcast_in_dim3A_297] : memref<640xi32, #tpu.memory_space<vmem>>[vector<16xi32>], vector<16xi32>,
        %add3A_299 = arith.constant 0 : i32
        %add3A_300 = vector.broadcast %add3A_299 : i32 to vector<16xi32>
        %add3A_301 = arith.addi %add3A_300, %iota3A : vector<16xi32>
        %add3A_302 = arith.addi %gather3A_298, %add3A_301 : vector<16xi32>
        %gather3A_303 = tpu.vector_load_idx %arg14[%broadcast_in_dim3A_297, %add3A_302] : memref<640x128xf32, #tpu.memory_space<vmem>>[vector<16xi32>, vector<16xi32>], vector<16xf32>,
        %add3A_304 = arith.addf %add3A_274, %gather3A_303 : vector<16xf32>
        %add3A_305 = arith.constant 16 : i32
        %add3A_306 = vector.broadcast %add3A_305 : i32 to vector<16xi32>
        %add3A_307 = arith.addi %add3A_306, %iota3A : vector<16xi32>
        %add3A_308 = arith.addi %gather3A_298, %add3A_307 : vector<16xi32>
        %gather3A_309 = tpu.vector_load_idx %arg14[%broadcast_in_dim3A_297, %add3A_308] : memref<640x128xf32, #tpu.memory_space<vmem>>[vector<16xi32>, vector<16xi32>], vector<16xf32>,
        %add3A_310 = arith.addf %add3A_280, %gather3A_309 : vector<16xf32>
        %add3A_311 = arith.constant 32 : i32
        %add3A_312 = vector.broadcast %add3A_311 : i32 to vector<16xi32>
        %add3A_313 = arith.addi %add3A_312, %iota3A : vector<16xi32>
        %add3A_314 = arith.addi %gather3A_298, %add3A_313 : vector<16xi32>
        %gather3A_315 = tpu.vector_load_idx %arg14[%broadcast_in_dim3A_297, %add3A_314] : memref<640x128xf32, #tpu.memory_space<vmem>>[vector<16xi32>, vector<16xi32>], vector<16xf32>,
        %add3A_316 = arith.addf %add3A_286, %gather3A_315 : vector<16xf32>
        %add3A_317 = arith.constant 48 : i32
        %add3A_318 = vector.broadcast %add3A_317 : i32 to vector<16xi32>
        %add3A_319 = arith.addi %add3A_318, %iota3A : vector<16xi32>
        %add3A_320 = arith.addi %gather3A_298, %add3A_319 : vector<16xi32>
        %gather3A_321 = tpu.vector_load_idx %arg14[%broadcast_in_dim3A_297, %add3A_320] : memref<640x128xf32, #tpu.memory_space<vmem>>[vector<16xi32>, vector<16xi32>], vector<16xf32>,
        %add3A_322 = arith.addf %add3A_292, %gather3A_321 : vector<16xf32>
        %mul3A_323 = arith.constant 20 : i32
        %mul3A_324 = arith.muli %scan3A_122, %mul3A_323 : i32
        %add3A_325 = arith.constant 6 : i32
        %add3A_326 = arith.addi %mul3A_324, %add3A_325 : i32
        %broadcast_in_dim3A_327 = vector.broadcast %add3A_326 : i32 to vector<16xi32>
        %gather3A_328 = tpu.vector_load_idx %arg12[%broadcast_in_dim3A_327] : memref<640xi32, #tpu.memory_space<vmem>>[vector<16xi32>], vector<16xi32>,
        %add3A_329 = arith.constant 0 : i32
        %add3A_330 = vector.broadcast %add3A_329 : i32 to vector<16xi32>
        %add3A_331 = arith.addi %add3A_330, %iota3A : vector<16xi32>
        %add3A_332 = arith.addi %gather3A_328, %add3A_331 : vector<16xi32>
        %gather3A_333 = tpu.vector_load_idx %arg14[%broadcast_in_dim3A_327, %add3A_332] : memref<640x128xf32, #tpu.memory_space<vmem>>[vector<16xi32>, vector<16xi32>], vector<16xf32>,
        %add3A_334 = arith.addf %add3A_304, %gather3A_333 : vector<16xf32>
        %add3A_335 = arith.constant 16 : i32
        %add3A_336 = vector.broadcast %add3A_335 : i32 to vector<16xi32>
        %add3A_337 = arith.addi %add3A_336, %iota3A : vector<16xi32>
        %add3A_338 = arith.addi %gather3A_328, %add3A_337 : vector<16xi32>
        %gather3A_339 = tpu.vector_load_idx %arg14[%broadcast_in_dim3A_327, %add3A_338] : memref<640x128xf32, #tpu.memory_space<vmem>>[vector<16xi32>, vector<16xi32>], vector<16xf32>,
        %add3A_340 = arith.addf %add3A_310, %gather3A_339 : vector<16xf32>
        %add3A_341 = arith.constant 32 : i32
        %add3A_342 = vector.broadcast %add3A_341 : i32 to vector<16xi32>
        %add3A_343 = arith.addi %add3A_342, %iota3A : vector<16xi32>
        %add3A_344 = arith.addi %gather3A_328, %add3A_343 : vector<16xi32>
        %gather3A_345 = tpu.vector_load_idx %arg14[%broadcast_in_dim3A_327, %add3A_344] : memref<640x128xf32, #tpu.memory_space<vmem>>[vector<16xi32>, vector<16xi32>], vector<16xf32>,
        %add3A_346 = arith.addf %add3A_316, %gather3A_345 : vector<16xf32>
        %add3A_347 = arith.constant 48 : i32
        %add3A_348 = vector.broadcast %add3A_347 : i32 to vector<16xi32>
        %add3A_349 = arith.addi %add3A_348, %iota3A : vector<16xi32>
        %add3A_350 = arith.addi %gather3A_328, %add3A_349 : vector<16xi32>
        %gather3A_351 = tpu.vector_load_idx %arg14[%broadcast_in_dim3A_327, %add3A_350] : memref<640x128xf32, #tpu.memory_space<vmem>>[vector<16xi32>, vector<16xi32>], vector<16xf32>,
        %add3A_352 = arith.addf %add3A_322, %gather3A_351 : vector<16xf32>
        %mul3A_353 = arith.constant 20 : i32
        %mul3A_354 = arith.muli %scan3A_122, %mul3A_353 : i32
        %add3A_355 = arith.constant 7 : i32
        %add3A_356 = arith.addi %mul3A_354, %add3A_355 : i32
        %broadcast_in_dim3A_357 = vector.broadcast %add3A_356 : i32 to vector<16xi32>
        %gather3A_358 = tpu.vector_load_idx %arg12[%broadcast_in_dim3A_357] : memref<640xi32, #tpu.memory_space<vmem>>[vector<16xi32>], vector<16xi32>,
        %add3A_359 = arith.constant 0 : i32
        %add3A_360 = vector.broadcast %add3A_359 : i32 to vector<16xi32>
        %add3A_361 = arith.addi %add3A_360, %iota3A : vector<16xi32>
        %add3A_362 = arith.addi %gather3A_358, %add3A_361 : vector<16xi32>
        %gather3A_363 = tpu.vector_load_idx %arg14[%broadcast_in_dim3A_357, %add3A_362] : memref<640x128xf32, #tpu.memory_space<vmem>>[vector<16xi32>, vector<16xi32>], vector<16xf32>,
        %add3A_364 = arith.addf %add3A_334, %gather3A_363 : vector<16xf32>
        %add3A_365 = arith.constant 16 : i32
        %add3A_366 = vector.broadcast %add3A_365 : i32 to vector<16xi32>
        %add3A_367 = arith.addi %add3A_366, %iota3A : vector<16xi32>
        %add3A_368 = arith.addi %gather3A_358, %add3A_367 : vector<16xi32>
        %gather3A_369 = tpu.vector_load_idx %arg14[%broadcast_in_dim3A_357, %add3A_368] : memref<640x128xf32, #tpu.memory_space<vmem>>[vector<16xi32>, vector<16xi32>], vector<16xf32>,
        %add3A_370 = arith.addf %add3A_340, %gather3A_369 : vector<16xf32>
        %add3A_371 = arith.constant 32 : i32
        %add3A_372 = vector.broadcast %add3A_371 : i32 to vector<16xi32>
        %add3A_373 = arith.addi %add3A_372, %iota3A : vector<16xi32>
        %add3A_374 = arith.addi %gather3A_358, %add3A_373 : vector<16xi32>
        %gather3A_375 = tpu.vector_load_idx %arg14[%broadcast_in_dim3A_357, %add3A_374] : memref<640x128xf32, #tpu.memory_space<vmem>>[vector<16xi32>, vector<16xi32>], vector<16xf32>,
        %add3A_376 = arith.addf %add3A_346, %gather3A_375 : vector<16xf32>
        %add3A_377 = arith.constant 48 : i32
        %add3A_378 = vector.broadcast %add3A_377 : i32 to vector<16xi32>
        %add3A_379 = arith.addi %add3A_378, %iota3A : vector<16xi32>
        %add3A_380 = arith.addi %gather3A_358, %add3A_379 : vector<16xi32>
        %gather3A_381 = tpu.vector_load_idx %arg14[%broadcast_in_dim3A_357, %add3A_380] : memref<640x128xf32, #tpu.memory_space<vmem>>[vector<16xi32>, vector<16xi32>], vector<16xf32>,
        %add3A_382 = arith.addf %add3A_352, %gather3A_381 : vector<16xf32>
        %mul3A_383 = arith.constant 20 : i32
        %mul3A_384 = arith.muli %scan3A_122, %mul3A_383 : i32
        %add3A_385 = arith.constant 8 : i32
        %add3A_386 = arith.addi %mul3A_384, %add3A_385 : i32
        %broadcast_in_dim3A_387 = vector.broadcast %add3A_386 : i32 to vector<16xi32>
        %gather3A_388 = tpu.vector_load_idx %arg12[%broadcast_in_dim3A_387] : memref<640xi32, #tpu.memory_space<vmem>>[vector<16xi32>], vector<16xi32>,
        %add3A_389 = arith.constant 0 : i32
        %add3A_390 = vector.broadcast %add3A_389 : i32 to vector<16xi32>
        %add3A_391 = arith.addi %add3A_390, %iota3A : vector<16xi32>
        %add3A_392 = arith.addi %gather3A_388, %add3A_391 : vector<16xi32>
        %gather3A_393 = tpu.vector_load_idx %arg14[%broadcast_in_dim3A_387, %add3A_392] : memref<640x128xf32, #tpu.memory_space<vmem>>[vector<16xi32>, vector<16xi32>], vector<16xf32>,
        %add3A_394 = arith.addf %add3A_364, %gather3A_393 : vector<16xf32>
        %add3A_395 = arith.constant 16 : i32
        %add3A_396 = vector.broadcast %add3A_395 : i32 to vector<16xi32>
        %add3A_397 = arith.addi %add3A_396, %iota3A : vector<16xi32>
        %add3A_398 = arith.addi %gather3A_388, %add3A_397 : vector<16xi32>
        %gather3A_399 = tpu.vector_load_idx %arg14[%broadcast_in_dim3A_387, %add3A_398] : memref<640x128xf32, #tpu.memory_space<vmem>>[vector<16xi32>, vector<16xi32>], vector<16xf32>,
        %add3A_400 = arith.addf %add3A_370, %gather3A_399 : vector<16xf32>
        %add3A_401 = arith.constant 32 : i32
        %add3A_402 = vector.broadcast %add3A_401 : i32 to vector<16xi32>
        %add3A_403 = arith.addi %add3A_402, %iota3A : vector<16xi32>
        %add3A_404 = arith.addi %gather3A_388, %add3A_403 : vector<16xi32>
        %gather3A_405 = tpu.vector_load_idx %arg14[%broadcast_in_dim3A_387, %add3A_404] : memref<640x128xf32, #tpu.memory_space<vmem>>[vector<16xi32>, vector<16xi32>], vector<16xf32>,
        %add3A_406 = arith.addf %add3A_376, %gather3A_405 : vector<16xf32>
        %add3A_407 = arith.constant 48 : i32
        %add3A_408 = vector.broadcast %add3A_407 : i32 to vector<16xi32>
        %add3A_409 = arith.addi %add3A_408, %iota3A : vector<16xi32>
        %add3A_410 = arith.addi %gather3A_388, %add3A_409 : vector<16xi32>
        %gather3A_411 = tpu.vector_load_idx %arg14[%broadcast_in_dim3A_387, %add3A_410] : memref<640x128xf32, #tpu.memory_space<vmem>>[vector<16xi32>, vector<16xi32>], vector<16xf32>,
        %add3A_412 = arith.addf %add3A_382, %gather3A_411 : vector<16xf32>
        %mul3A_413 = arith.constant 20 : i32
        %mul3A_414 = arith.muli %scan3A_122, %mul3A_413 : i32
        %add3A_415 = arith.constant 9 : i32
        %add3A_416 = arith.addi %mul3A_414, %add3A_415 : i32
        %broadcast_in_dim3A_417 = vector.broadcast %add3A_416 : i32 to vector<16xi32>
        %gather3A_418 = tpu.vector_load_idx %arg12[%broadcast_in_dim3A_417] : memref<640xi32, #tpu.memory_space<vmem>>[vector<16xi32>], vector<16xi32>,
        %add3A_419 = arith.constant 0 : i32
        %add3A_420 = vector.broadcast %add3A_419 : i32 to vector<16xi32>
        %add3A_421 = arith.addi %add3A_420, %iota3A : vector<16xi32>
        %add3A_422 = arith.addi %gather3A_418, %add3A_421 : vector<16xi32>
        %gather3A_423 = tpu.vector_load_idx %arg14[%broadcast_in_dim3A_417, %add3A_422] : memref<640x128xf32, #tpu.memory_space<vmem>>[vector<16xi32>, vector<16xi32>], vector<16xf32>,
        %add3A_424 = arith.addf %add3A_394, %gather3A_423 : vector<16xf32>
        %add3A_425 = arith.constant 16 : i32
        %add3A_426 = vector.broadcast %add3A_425 : i32 to vector<16xi32>
        %add3A_427 = arith.addi %add3A_426, %iota3A : vector<16xi32>
        %add3A_428 = arith.addi %gather3A_418, %add3A_427 : vector<16xi32>
        %gather3A_429 = tpu.vector_load_idx %arg14[%broadcast_in_dim3A_417, %add3A_428] : memref<640x128xf32, #tpu.memory_space<vmem>>[vector<16xi32>, vector<16xi32>], vector<16xf32>,
        %add3A_430 = arith.addf %add3A_400, %gather3A_429 : vector<16xf32>
        %add3A_431 = arith.constant 32 : i32
        %add3A_432 = vector.broadcast %add3A_431 : i32 to vector<16xi32>
        %add3A_433 = arith.addi %add3A_432, %iota3A : vector<16xi32>
        %add3A_434 = arith.addi %gather3A_418, %add3A_433 : vector<16xi32>
        %gather3A_435 = tpu.vector_load_idx %arg14[%broadcast_in_dim3A_417, %add3A_434] : memref<640x128xf32, #tpu.memory_space<vmem>>[vector<16xi32>, vector<16xi32>], vector<16xf32>,
        %add3A_436 = arith.addf %add3A_406, %gather3A_435 : vector<16xf32>
        %add3A_437 = arith.constant 48 : i32
        %add3A_438 = vector.broadcast %add3A_437 : i32 to vector<16xi32>
        %add3A_439 = arith.addi %add3A_438, %iota3A : vector<16xi32>
        %add3A_440 = arith.addi %gather3A_418, %add3A_439 : vector<16xi32>
        %gather3A_441 = tpu.vector_load_idx %arg14[%broadcast_in_dim3A_417, %add3A_440] : memref<640x128xf32, #tpu.memory_space<vmem>>[vector<16xi32>, vector<16xi32>], vector<16xf32>,
        %add3A_442 = arith.addf %add3A_412, %gather3A_441 : vector<16xf32>
        %mul3A_443 = arith.constant 20 : i32
        %mul3A_444 = arith.muli %scan3A_122, %mul3A_443 : i32
        %add3A_445 = arith.constant 10 : i32
        %add3A_446 = arith.addi %mul3A_444, %add3A_445 : i32
        %broadcast_in_dim3A_447 = vector.broadcast %add3A_446 : i32 to vector<16xi32>
        %gather3A_448 = tpu.vector_load_idx %arg12[%broadcast_in_dim3A_447] : memref<640xi32, #tpu.memory_space<vmem>>[vector<16xi32>], vector<16xi32>,
        %add3A_449 = arith.constant 0 : i32
        %add3A_450 = vector.broadcast %add3A_449 : i32 to vector<16xi32>
        %add3A_451 = arith.addi %add3A_450, %iota3A : vector<16xi32>
        %add3A_452 = arith.addi %gather3A_448, %add3A_451 : vector<16xi32>
        %gather3A_453 = tpu.vector_load_idx %arg14[%broadcast_in_dim3A_447, %add3A_452] : memref<640x128xf32, #tpu.memory_space<vmem>>[vector<16xi32>, vector<16xi32>], vector<16xf32>,
        %add3A_454 = arith.addf %add3A_424, %gather3A_453 : vector<16xf32>
        %add3A_455 = arith.constant 16 : i32
        %add3A_456 = vector.broadcast %add3A_455 : i32 to vector<16xi32>
        %add3A_457 = arith.addi %add3A_456, %iota3A : vector<16xi32>
        %add3A_458 = arith.addi %gather3A_448, %add3A_457 : vector<16xi32>
        %gather3A_459 = tpu.vector_load_idx %arg14[%broadcast_in_dim3A_447, %add3A_458] : memref<640x128xf32, #tpu.memory_space<vmem>>[vector<16xi32>, vector<16xi32>], vector<16xf32>,
        %add3A_460 = arith.addf %add3A_430, %gather3A_459 : vector<16xf32>
        %add3A_461 = arith.constant 32 : i32
        %add3A_462 = vector.broadcast %add3A_461 : i32 to vector<16xi32>
        %add3A_463 = arith.addi %add3A_462, %iota3A : vector<16xi32>
        %add3A_464 = arith.addi %gather3A_448, %add3A_463 : vector<16xi32>
        %gather3A_465 = tpu.vector_load_idx %arg14[%broadcast_in_dim3A_447, %add3A_464] : memref<640x128xf32, #tpu.memory_space<vmem>>[vector<16xi32>, vector<16xi32>], vector<16xf32>,
        %add3A_466 = arith.addf %add3A_436, %gather3A_465 : vector<16xf32>
        %add3A_467 = arith.constant 48 : i32
        %add3A_468 = vector.broadcast %add3A_467 : i32 to vector<16xi32>
        %add3A_469 = arith.addi %add3A_468, %iota3A : vector<16xi32>
        %add3A_470 = arith.addi %gather3A_448, %add3A_469 : vector<16xi32>
        %gather3A_471 = tpu.vector_load_idx %arg14[%broadcast_in_dim3A_447, %add3A_470] : memref<640x128xf32, #tpu.memory_space<vmem>>[vector<16xi32>, vector<16xi32>], vector<16xf32>,
        %add3A_472 = arith.addf %add3A_442, %gather3A_471 : vector<16xf32>
        %mul3A_473 = arith.constant 20 : i32
        %mul3A_474 = arith.muli %scan3A_122, %mul3A_473 : i32
        %add3A_475 = arith.constant 11 : i32
        %add3A_476 = arith.addi %mul3A_474, %add3A_475 : i32
        %broadcast_in_dim3A_477 = vector.broadcast %add3A_476 : i32 to vector<16xi32>
        %gather3A_478 = tpu.vector_load_idx %arg12[%broadcast_in_dim3A_477] : memref<640xi32, #tpu.memory_space<vmem>>[vector<16xi32>], vector<16xi32>,
        %add3A_479 = arith.constant 0 : i32
        %add3A_480 = vector.broadcast %add3A_479 : i32 to vector<16xi32>
        %add3A_481 = arith.addi %add3A_480, %iota3A : vector<16xi32>
        %add3A_482 = arith.addi %gather3A_478, %add3A_481 : vector<16xi32>
        %gather3A_483 = tpu.vector_load_idx %arg14[%broadcast_in_dim3A_477, %add3A_482] : memref<640x128xf32, #tpu.memory_space<vmem>>[vector<16xi32>, vector<16xi32>], vector<16xf32>,
        %add3A_484 = arith.addf %add3A_454, %gather3A_483 : vector<16xf32>
        %add3A_485 = arith.constant 16 : i32
        %add3A_486 = vector.broadcast %add3A_485 : i32 to vector<16xi32>
        %add3A_487 = arith.addi %add3A_486, %iota3A : vector<16xi32>
        %add3A_488 = arith.addi %gather3A_478, %add3A_487 : vector<16xi32>
        %gather3A_489 = tpu.vector_load_idx %arg14[%broadcast_in_dim3A_477, %add3A_488] : memref<640x128xf32, #tpu.memory_space<vmem>>[vector<16xi32>, vector<16xi32>], vector<16xf32>,
        %add3A_490 = arith.addf %add3A_460, %gather3A_489 : vector<16xf32>
        %add3A_491 = arith.constant 32 : i32
        %add3A_492 = vector.broadcast %add3A_491 : i32 to vector<16xi32>
        %add3A_493 = arith.addi %add3A_492, %iota3A : vector<16xi32>
        %add3A_494 = arith.addi %gather3A_478, %add3A_493 : vector<16xi32>
        %gather3A_495 = tpu.vector_load_idx %arg14[%broadcast_in_dim3A_477, %add3A_494] : memref<640x128xf32, #tpu.memory_space<vmem>>[vector<16xi32>, vector<16xi32>], vector<16xf32>,
        %add3A_496 = arith.addf %add3A_466, %gather3A_495 : vector<16xf32>
        %add3A_497 = arith.constant 48 : i32
        %add3A_498 = vector.broadcast %add3A_497 : i32 to vector<16xi32>
        %add3A_499 = arith.addi %add3A_498, %iota3A : vector<16xi32>
        %add3A_500 = arith.addi %gather3A_478, %add3A_499 : vector<16xi32>
        %gather3A_501 = tpu.vector_load_idx %arg14[%broadcast_in_dim3A_477, %add3A_500] : memref<640x128xf32, #tpu.memory_space<vmem>>[vector<16xi32>, vector<16xi32>], vector<16xf32>,
        %add3A_502 = arith.addf %add3A_472, %gather3A_501 : vector<16xf32>
        %mul3A_503 = arith.constant 20 : i32
        %mul3A_504 = arith.muli %scan3A_122, %mul3A_503 : i32
        %add3A_505 = arith.constant 12 : i32
        %add3A_506 = arith.addi %mul3A_504, %add3A_505 : i32
        %broadcast_in_dim3A_507 = vector.broadcast %add3A_506 : i32 to vector<16xi32>
        %gather3A_508 = tpu.vector_load_idx %arg12[%broadcast_in_dim3A_507] : memref<640xi32, #tpu.memory_space<vmem>>[vector<16xi32>], vector<16xi32>,
        %add3A_509 = arith.constant 0 : i32
        %add3A_510 = vector.broadcast %add3A_509 : i32 to vector<16xi32>
        %add3A_511 = arith.addi %add3A_510, %iota3A : vector<16xi32>
        %add3A_512 = arith.addi %gather3A_508, %add3A_511 : vector<16xi32>
        %gather3A_513 = tpu.vector_load_idx %arg14[%broadcast_in_dim3A_507, %add3A_512] : memref<640x128xf32, #tpu.memory_space<vmem>>[vector<16xi32>, vector<16xi32>], vector<16xf32>,
        %add3A_514 = arith.addf %add3A_484, %gather3A_513 : vector<16xf32>
        %add3A_515 = arith.constant 16 : i32
        %add3A_516 = vector.broadcast %add3A_515 : i32 to vector<16xi32>
        %add3A_517 = arith.addi %add3A_516, %iota3A : vector<16xi32>
        %add3A_518 = arith.addi %gather3A_508, %add3A_517 : vector<16xi32>
        %gather3A_519 = tpu.vector_load_idx %arg14[%broadcast_in_dim3A_507, %add3A_518] : memref<640x128xf32, #tpu.memory_space<vmem>>[vector<16xi32>, vector<16xi32>], vector<16xf32>,
        %add3A_520 = arith.addf %add3A_490, %gather3A_519 : vector<16xf32>
        %add3A_521 = arith.constant 32 : i32
        %add3A_522 = vector.broadcast %add3A_521 : i32 to vector<16xi32>
        %add3A_523 = arith.addi %add3A_522, %iota3A : vector<16xi32>
        %add3A_524 = arith.addi %gather3A_508, %add3A_523 : vector<16xi32>
        %gather3A_525 = tpu.vector_load_idx %arg14[%broadcast_in_dim3A_507, %add3A_524] : memref<640x128xf32, #tpu.memory_space<vmem>>[vector<16xi32>, vector<16xi32>], vector<16xf32>,
        %add3A_526 = arith.addf %add3A_496, %gather3A_525 : vector<16xf32>
        %add3A_527 = arith.constant 48 : i32
        %add3A_528 = vector.broadcast %add3A_527 : i32 to vector<16xi32>
        %add3A_529 = arith.addi %add3A_528, %iota3A : vector<16xi32>
        %add3A_530 = arith.addi %gather3A_508, %add3A_529 : vector<16xi32>
        %gather3A_531 = tpu.vector_load_idx %arg14[%broadcast_in_dim3A_507, %add3A_530] : memref<640x128xf32, #tpu.memory_space<vmem>>[vector<16xi32>, vector<16xi32>], vector<16xf32>,
        %add3A_532 = arith.addf %add3A_502, %gather3A_531 : vector<16xf32>
        %mul3A_533 = arith.constant 20 : i32
        %mul3A_534 = arith.muli %scan3A_122, %mul3A_533 : i32
        %add3A_535 = arith.constant 13 : i32
        %add3A_536 = arith.addi %mul3A_534, %add3A_535 : i32
        %broadcast_in_dim3A_537 = vector.broadcast %add3A_536 : i32 to vector<16xi32>
        %gather3A_538 = tpu.vector_load_idx %arg12[%broadcast_in_dim3A_537] : memref<640xi32, #tpu.memory_space<vmem>>[vector<16xi32>], vector<16xi32>,
        %add3A_539 = arith.constant 0 : i32
        %add3A_540 = vector.broadcast %add3A_539 : i32 to vector<16xi32>
        %add3A_541 = arith.addi %add3A_540, %iota3A : vector<16xi32>
        %add3A_542 = arith.addi %gather3A_538, %add3A_541 : vector<16xi32>
        %gather3A_543 = tpu.vector_load_idx %arg14[%broadcast_in_dim3A_537, %add3A_542] : memref<640x128xf32, #tpu.memory_space<vmem>>[vector<16xi32>, vector<16xi32>], vector<16xf32>,
        %add3A_544 = arith.addf %add3A_514, %gather3A_543 : vector<16xf32>
        %add3A_545 = arith.constant 16 : i32
        %add3A_546 = vector.broadcast %add3A_545 : i32 to vector<16xi32>
        %add3A_547 = arith.addi %add3A_546, %iota3A : vector<16xi32>
        %add3A_548 = arith.addi %gather3A_538, %add3A_547 : vector<16xi32>
        %gather3A_549 = tpu.vector_load_idx %arg14[%broadcast_in_dim3A_537, %add3A_548] : memref<640x128xf32, #tpu.memory_space<vmem>>[vector<16xi32>, vector<16xi32>], vector<16xf32>,
        %add3A_550 = arith.addf %add3A_520, %gather3A_549 : vector<16xf32>
        %add3A_551 = arith.constant 32 : i32
        %add3A_552 = vector.broadcast %add3A_551 : i32 to vector<16xi32>
        %add3A_553 = arith.addi %add3A_552, %iota3A : vector<16xi32>
        %add3A_554 = arith.addi %gather3A_538, %add3A_553 : vector<16xi32>
        %gather3A_555 = tpu.vector_load_idx %arg14[%broadcast_in_dim3A_537, %add3A_554] : memref<640x128xf32, #tpu.memory_space<vmem>>[vector<16xi32>, vector<16xi32>], vector<16xf32>,
        %add3A_556 = arith.addf %add3A_526, %gather3A_555 : vector<16xf32>
        %add3A_557 = arith.constant 48 : i32
        %add3A_558 = vector.broadcast %add3A_557 : i32 to vector<16xi32>
        %add3A_559 = arith.addi %add3A_558, %iota3A : vector<16xi32>
        %add3A_560 = arith.addi %gather3A_538, %add3A_559 : vector<16xi32>
        %gather3A_561 = tpu.vector_load_idx %arg14[%broadcast_in_dim3A_537, %add3A_560] : memref<640x128xf32, #tpu.memory_space<vmem>>[vector<16xi32>, vector<16xi32>], vector<16xf32>,
        %add3A_562 = arith.addf %add3A_532, %gather3A_561 : vector<16xf32>
        %mul3A_563 = arith.constant 20 : i32
        %mul3A_564 = arith.muli %scan3A_122, %mul3A_563 : i32
        %add3A_565 = arith.constant 14 : i32
        %add3A_566 = arith.addi %mul3A_564, %add3A_565 : i32
        %broadcast_in_dim3A_567 = vector.broadcast %add3A_566 : i32 to vector<16xi32>
        %gather3A_568 = tpu.vector_load_idx %arg12[%broadcast_in_dim3A_567] : memref<640xi32, #tpu.memory_space<vmem>>[vector<16xi32>], vector<16xi32>,
        %add3A_569 = arith.constant 0 : i32
        %add3A_570 = vector.broadcast %add3A_569 : i32 to vector<16xi32>
        %add3A_571 = arith.addi %add3A_570, %iota3A : vector<16xi32>
        %add3A_572 = arith.addi %gather3A_568, %add3A_571 : vector<16xi32>
        %gather3A_573 = tpu.vector_load_idx %arg14[%broadcast_in_dim3A_567, %add3A_572] : memref<640x128xf32, #tpu.memory_space<vmem>>[vector<16xi32>, vector<16xi32>], vector<16xf32>,
        %add3A_574 = arith.addf %add3A_544, %gather3A_573 : vector<16xf32>
        %add3A_575 = arith.constant 16 : i32
        %add3A_576 = vector.broadcast %add3A_575 : i32 to vector<16xi32>
        %add3A_577 = arith.addi %add3A_576, %iota3A : vector<16xi32>
        %add3A_578 = arith.addi %gather3A_568, %add3A_577 : vector<16xi32>
        %gather3A_579 = tpu.vector_load_idx %arg14[%broadcast_in_dim3A_567, %add3A_578] : memref<640x128xf32, #tpu.memory_space<vmem>>[vector<16xi32>, vector<16xi32>], vector<16xf32>,
        %add3A_580 = arith.addf %add3A_550, %gather3A_579 : vector<16xf32>
        %add3A_581 = arith.constant 32 : i32
        %add3A_582 = vector.broadcast %add3A_581 : i32 to vector<16xi32>
        %add3A_583 = arith.addi %add3A_582, %iota3A : vector<16xi32>
        %add3A_584 = arith.addi %gather3A_568, %add3A_583 : vector<16xi32>
        %gather3A_585 = tpu.vector_load_idx %arg14[%broadcast_in_dim3A_567, %add3A_584] : memref<640x128xf32, #tpu.memory_space<vmem>>[vector<16xi32>, vector<16xi32>], vector<16xf32>,
        %add3A_586 = arith.addf %add3A_556, %gather3A_585 : vector<16xf32>
        %add3A_587 = arith.constant 48 : i32
        %add3A_588 = vector.broadcast %add3A_587 : i32 to vector<16xi32>
        %add3A_589 = arith.addi %add3A_588, %iota3A : vector<16xi32>
        %add3A_590 = arith.addi %gather3A_568, %add3A_589 : vector<16xi32>
        %gather3A_591 = tpu.vector_load_idx %arg14[%broadcast_in_dim3A_567, %add3A_590] : memref<640x128xf32, #tpu.memory_space<vmem>>[vector<16xi32>, vector<16xi32>], vector<16xf32>,
        %add3A_592 = arith.addf %add3A_562, %gather3A_591 : vector<16xf32>
        %mul3A_593 = arith.constant 20 : i32
        %mul3A_594 = arith.muli %scan3A_122, %mul3A_593 : i32
        %add3A_595 = arith.constant 15 : i32
        %add3A_596 = arith.addi %mul3A_594, %add3A_595 : i32
        %broadcast_in_dim3A_597 = vector.broadcast %add3A_596 : i32 to vector<16xi32>
        %gather3A_598 = tpu.vector_load_idx %arg12[%broadcast_in_dim3A_597] : memref<640xi32, #tpu.memory_space<vmem>>[vector<16xi32>], vector<16xi32>,
        %add3A_599 = arith.constant 0 : i32
        %add3A_600 = vector.broadcast %add3A_599 : i32 to vector<16xi32>
        %add3A_601 = arith.addi %add3A_600, %iota3A : vector<16xi32>
        %add3A_602 = arith.addi %gather3A_598, %add3A_601 : vector<16xi32>
        %gather3A_603 = tpu.vector_load_idx %arg14[%broadcast_in_dim3A_597, %add3A_602] : memref<640x128xf32, #tpu.memory_space<vmem>>[vector<16xi32>, vector<16xi32>], vector<16xf32>,
        %add3A_604 = arith.addf %add3A_574, %gather3A_603 : vector<16xf32>
        %add3A_605 = arith.constant 16 : i32
        %add3A_606 = vector.broadcast %add3A_605 : i32 to vector<16xi32>
        %add3A_607 = arith.addi %add3A_606, %iota3A : vector<16xi32>
        %add3A_608 = arith.addi %gather3A_598, %add3A_607 : vector<16xi32>
        %gather3A_609 = tpu.vector_load_idx %arg14[%broadcast_in_dim3A_597, %add3A_608] : memref<640x128xf32, #tpu.memory_space<vmem>>[vector<16xi32>, vector<16xi32>], vector<16xf32>,
        %add3A_610 = arith.addf %add3A_580, %gather3A_609 : vector<16xf32>
        %add3A_611 = arith.constant 32 : i32
        %add3A_612 = vector.broadcast %add3A_611 : i32 to vector<16xi32>
        %add3A_613 = arith.addi %add3A_612, %iota3A : vector<16xi32>
        %add3A_614 = arith.addi %gather3A_598, %add3A_613 : vector<16xi32>
        %gather3A_615 = tpu.vector_load_idx %arg14[%broadcast_in_dim3A_597, %add3A_614] : memref<640x128xf32, #tpu.memory_space<vmem>>[vector<16xi32>, vector<16xi32>], vector<16xf32>,
        %add3A_616 = arith.addf %add3A_586, %gather3A_615 : vector<16xf32>
        %add3A_617 = arith.constant 48 : i32
        %add3A_618 = vector.broadcast %add3A_617 : i32 to vector<16xi32>
        %add3A_619 = arith.addi %add3A_618, %iota3A : vector<16xi32>
        %add3A_620 = arith.addi %gather3A_598, %add3A_619 : vector<16xi32>
        %gather3A_621 = tpu.vector_load_idx %arg14[%broadcast_in_dim3A_597, %add3A_620] : memref<640x128xf32, #tpu.memory_space<vmem>>[vector<16xi32>, vector<16xi32>], vector<16xf32>,
        %add3A_622 = arith.addf %add3A_592, %gather3A_621 : vector<16xf32>
        %mul3A_623 = arith.constant 20 : i32
        %mul3A_624 = arith.muli %scan3A_122, %mul3A_623 : i32
        %add3A_625 = arith.constant 16 : i32
        %add3A_626 = arith.addi %mul3A_624, %add3A_625 : i32
        %broadcast_in_dim3A_627 = vector.broadcast %add3A_626 : i32 to vector<16xi32>
        %gather3A_628 = tpu.vector_load_idx %arg12[%broadcast_in_dim3A_627] : memref<640xi32, #tpu.memory_space<vmem>>[vector<16xi32>], vector<16xi32>,
        %add3A_629 = arith.constant 0 : i32
        %add3A_630 = vector.broadcast %add3A_629 : i32 to vector<16xi32>
        %add3A_631 = arith.addi %add3A_630, %iota3A : vector<16xi32>
        %add3A_632 = arith.addi %gather3A_628, %add3A_631 : vector<16xi32>
        %gather3A_633 = tpu.vector_load_idx %arg14[%broadcast_in_dim3A_627, %add3A_632] : memref<640x128xf32, #tpu.memory_space<vmem>>[vector<16xi32>, vector<16xi32>], vector<16xf32>,
        %add3A_634 = arith.addf %add3A_604, %gather3A_633 : vector<16xf32>
        %add3A_635 = arith.constant 16 : i32
        %add3A_636 = vector.broadcast %add3A_635 : i32 to vector<16xi32>
        %add3A_637 = arith.addi %add3A_636, %iota3A : vector<16xi32>
        %add3A_638 = arith.addi %gather3A_628, %add3A_637 : vector<16xi32>
        %gather3A_639 = tpu.vector_load_idx %arg14[%broadcast_in_dim3A_627, %add3A_638] : memref<640x128xf32, #tpu.memory_space<vmem>>[vector<16xi32>, vector<16xi32>], vector<16xf32>,
        %add3A_640 = arith.addf %add3A_610, %gather3A_639 : vector<16xf32>
        %add3A_641 = arith.constant 32 : i32
        %add3A_642 = vector.broadcast %add3A_641 : i32 to vector<16xi32>
        %add3A_643 = arith.addi %add3A_642, %iota3A : vector<16xi32>
        %add3A_644 = arith.addi %gather3A_628, %add3A_643 : vector<16xi32>
        %gather3A_645 = tpu.vector_load_idx %arg14[%broadcast_in_dim3A_627, %add3A_644] : memref<640x128xf32, #tpu.memory_space<vmem>>[vector<16xi32>, vector<16xi32>], vector<16xf32>,
        %add3A_646 = arith.addf %add3A_616, %gather3A_645 : vector<16xf32>
        %add3A_647 = arith.constant 48 : i32
        %add3A_648 = vector.broadcast %add3A_647 : i32 to vector<16xi32>
        %add3A_649 = arith.addi %add3A_648, %iota3A : vector<16xi32>
        %add3A_650 = arith.addi %gather3A_628, %add3A_649 : vector<16xi32>
        %gather3A_651 = tpu.vector_load_idx %arg14[%broadcast_in_dim3A_627, %add3A_650] : memref<640x128xf32, #tpu.memory_space<vmem>>[vector<16xi32>, vector<16xi32>], vector<16xf32>,
        %add3A_652 = arith.addf %add3A_622, %gather3A_651 : vector<16xf32>
        %mul3A_653 = arith.constant 20 : i32
        %mul3A_654 = arith.muli %scan3A_122, %mul3A_653 : i32
        %add3A_655 = arith.constant 17 : i32
        %add3A_656 = arith.addi %mul3A_654, %add3A_655 : i32
        %broadcast_in_dim3A_657 = vector.broadcast %add3A_656 : i32 to vector<16xi32>
        %gather3A_658 = tpu.vector_load_idx %arg12[%broadcast_in_dim3A_657] : memref<640xi32, #tpu.memory_space<vmem>>[vector<16xi32>], vector<16xi32>,
        %add3A_659 = arith.constant 0 : i32
        %add3A_660 = vector.broadcast %add3A_659 : i32 to vector<16xi32>
        %add3A_661 = arith.addi %add3A_660, %iota3A : vector<16xi32>
        %add3A_662 = arith.addi %gather3A_658, %add3A_661 : vector<16xi32>
        %gather3A_663 = tpu.vector_load_idx %arg14[%broadcast_in_dim3A_657, %add3A_662] : memref<640x128xf32, #tpu.memory_space<vmem>>[vector<16xi32>, vector<16xi32>], vector<16xf32>,
        %add3A_664 = arith.addf %add3A_634, %gather3A_663 : vector<16xf32>
        %add3A_665 = arith.constant 16 : i32
        %add3A_666 = vector.broadcast %add3A_665 : i32 to vector<16xi32>
        %add3A_667 = arith.addi %add3A_666, %iota3A : vector<16xi32>
        %add3A_668 = arith.addi %gather3A_658, %add3A_667 : vector<16xi32>
        %gather3A_669 = tpu.vector_load_idx %arg14[%broadcast_in_dim3A_657, %add3A_668] : memref<640x128xf32, #tpu.memory_space<vmem>>[vector<16xi32>, vector<16xi32>], vector<16xf32>,
        %add3A_670 = arith.addf %add3A_640, %gather3A_669 : vector<16xf32>
        %add3A_671 = arith.constant 32 : i32
        %add3A_672 = vector.broadcast %add3A_671 : i32 to vector<16xi32>
        %add3A_673 = arith.addi %add3A_672, %iota3A : vector<16xi32>
        %add3A_674 = arith.addi %gather3A_658, %add3A_673 : vector<16xi32>
        %gather3A_675 = tpu.vector_load_idx %arg14[%broadcast_in_dim3A_657, %add3A_674] : memref<640x128xf32, #tpu.memory_space<vmem>>[vector<16xi32>, vector<16xi32>], vector<16xf32>,
        %add3A_676 = arith.addf %add3A_646, %gather3A_675 : vector<16xf32>
        %add3A_677 = arith.constant 48 : i32
        %add3A_678 = vector.broadcast %add3A_677 : i32 to vector<16xi32>
        %add3A_679 = arith.addi %add3A_678, %iota3A : vector<16xi32>
        %add3A_680 = arith.addi %gather3A_658, %add3A_679 : vector<16xi32>
        %gather3A_681 = tpu.vector_load_idx %arg14[%broadcast_in_dim3A_657, %add3A_680] : memref<640x128xf32, #tpu.memory_space<vmem>>[vector<16xi32>, vector<16xi32>], vector<16xf32>,
        %add3A_682 = arith.addf %add3A_652, %gather3A_681 : vector<16xf32>
        %mul3A_683 = arith.constant 20 : i32
        %mul3A_684 = arith.muli %scan3A_122, %mul3A_683 : i32
        %add3A_685 = arith.constant 18 : i32
        %add3A_686 = arith.addi %mul3A_684, %add3A_685 : i32
        %broadcast_in_dim3A_687 = vector.broadcast %add3A_686 : i32 to vector<16xi32>
        %gather3A_688 = tpu.vector_load_idx %arg12[%broadcast_in_dim3A_687] : memref<640xi32, #tpu.memory_space<vmem>>[vector<16xi32>], vector<16xi32>,
        %add3A_689 = arith.constant 0 : i32
        %add3A_690 = vector.broadcast %add3A_689 : i32 to vector<16xi32>
        %add3A_691 = arith.addi %add3A_690, %iota3A : vector<16xi32>
        %add3A_692 = arith.addi %gather3A_688, %add3A_691 : vector<16xi32>
        %gather3A_693 = tpu.vector_load_idx %arg14[%broadcast_in_dim3A_687, %add3A_692] : memref<640x128xf32, #tpu.memory_space<vmem>>[vector<16xi32>, vector<16xi32>], vector<16xf32>,
        %add3A_694 = arith.addf %add3A_664, %gather3A_693 : vector<16xf32>
        %add3A_695 = arith.constant 16 : i32
        %add3A_696 = vector.broadcast %add3A_695 : i32 to vector<16xi32>
        %add3A_697 = arith.addi %add3A_696, %iota3A : vector<16xi32>
        %add3A_698 = arith.addi %gather3A_688, %add3A_697 : vector<16xi32>
        %gather3A_699 = tpu.vector_load_idx %arg14[%broadcast_in_dim3A_687, %add3A_698] : memref<640x128xf32, #tpu.memory_space<vmem>>[vector<16xi32>, vector<16xi32>], vector<16xf32>,
        %add3A_700 = arith.addf %add3A_670, %gather3A_699 : vector<16xf32>
        %add3A_701 = arith.constant 32 : i32
        %add3A_702 = vector.broadcast %add3A_701 : i32 to vector<16xi32>
        %add3A_703 = arith.addi %add3A_702, %iota3A : vector<16xi32>
        %add3A_704 = arith.addi %gather3A_688, %add3A_703 : vector<16xi32>
        %gather3A_705 = tpu.vector_load_idx %arg14[%broadcast_in_dim3A_687, %add3A_704] : memref<640x128xf32, #tpu.memory_space<vmem>>[vector<16xi32>, vector<16xi32>], vector<16xf32>,
        %add3A_706 = arith.addf %add3A_676, %gather3A_705 : vector<16xf32>
        %add3A_707 = arith.constant 48 : i32
        %add3A_708 = vector.broadcast %add3A_707 : i32 to vector<16xi32>
        %add3A_709 = arith.addi %add3A_708, %iota3A : vector<16xi32>
        %add3A_710 = arith.addi %gather3A_688, %add3A_709 : vector<16xi32>
        %gather3A_711 = tpu.vector_load_idx %arg14[%broadcast_in_dim3A_687, %add3A_710] : memref<640x128xf32, #tpu.memory_space<vmem>>[vector<16xi32>, vector<16xi32>], vector<16xf32>,
        %add3A_712 = arith.addf %add3A_682, %gather3A_711 : vector<16xf32>
        %mul3A_713 = arith.constant 20 : i32
        %mul3A_714 = arith.muli %scan3A_122, %mul3A_713 : i32
        %add3A_715 = arith.constant 19 : i32
        %add3A_716 = arith.addi %mul3A_714, %add3A_715 : i32
        %broadcast_in_dim3A_717 = vector.broadcast %add3A_716 : i32 to vector<16xi32>
        %gather3A_718 = tpu.vector_load_idx %arg12[%broadcast_in_dim3A_717] : memref<640xi32, #tpu.memory_space<vmem>>[vector<16xi32>], vector<16xi32>,
        %add3A_719 = arith.constant 0 : i32
        %add3A_720 = vector.broadcast %add3A_719 : i32 to vector<16xi32>
        %add3A_721 = arith.addi %add3A_720, %iota3A : vector<16xi32>
        %add3A_722 = arith.addi %gather3A_718, %add3A_721 : vector<16xi32>
        %gather3A_723 = tpu.vector_load_idx %arg14[%broadcast_in_dim3A_717, %add3A_722] : memref<640x128xf32, #tpu.memory_space<vmem>>[vector<16xi32>, vector<16xi32>], vector<16xf32>,
        %add3A_724 = arith.addf %add3A_694, %gather3A_723 : vector<16xf32>
        %add3A_725 = arith.constant 16 : i32
        %add3A_726 = vector.broadcast %add3A_725 : i32 to vector<16xi32>
        %add3A_727 = arith.addi %add3A_726, %iota3A : vector<16xi32>
        %add3A_728 = arith.addi %gather3A_718, %add3A_727 : vector<16xi32>
        %gather3A_729 = tpu.vector_load_idx %arg14[%broadcast_in_dim3A_717, %add3A_728] : memref<640x128xf32, #tpu.memory_space<vmem>>[vector<16xi32>, vector<16xi32>], vector<16xf32>,
        %add3A_730 = arith.addf %add3A_700, %gather3A_729 : vector<16xf32>
        %add3A_731 = arith.constant 32 : i32
        %add3A_732 = vector.broadcast %add3A_731 : i32 to vector<16xi32>
        %add3A_733 = arith.addi %add3A_732, %iota3A : vector<16xi32>
        %add3A_734 = arith.addi %gather3A_718, %add3A_733 : vector<16xi32>
        %gather3A_735 = tpu.vector_load_idx %arg14[%broadcast_in_dim3A_717, %add3A_734] : memref<640x128xf32, #tpu.memory_space<vmem>>[vector<16xi32>, vector<16xi32>], vector<16xf32>,
        %add3A_736 = arith.addf %add3A_706, %gather3A_735 : vector<16xf32>
        %add3A_737 = arith.constant 48 : i32
        %add3A_738 = vector.broadcast %add3A_737 : i32 to vector<16xi32>
        %add3A_739 = arith.addi %add3A_738, %iota3A : vector<16xi32>
        %add3A_740 = arith.addi %gather3A_718, %add3A_739 : vector<16xi32>
        %gather3A_741 = tpu.vector_load_idx %arg14[%broadcast_in_dim3A_717, %add3A_740] : memref<640x128xf32, #tpu.memory_space<vmem>>[vector<16xi32>, vector<16xi32>], vector<16xf32>,
        %add3A_742 = arith.addf %add3A_712, %gather3A_741 : vector<16xf32>
        %shift_right_arithmetic3A = arith.constant 1 : i32
        %shift_right_arithmetic3A_743 = arith.shrsi %scan3A_122, %shift_right_arithmetic3A : i32
        %broadcast_in_dim3A_744 = vector.broadcast %shift_right_arithmetic3A_743 : i32 to vector<16xi32>
        %and3A_745 = arith.constant 1 : i32
        %and3A_746 = arith.andi %scan3A_122, %and3A_745 : i32
        %mul3A_747 = arith.constant 64 : i32
        %mul3A_748 = arith.muli %and3A_746, %mul3A_747 : i32
        %broadcast_in_dim3A_749 = vector.broadcast %mul3A_748 : i32 to vector<16xi32>
        %add3A_750 = arith.constant 0 : i32
        %add3A_751 = vector.broadcast %add3A_750 : i32 to vector<16xi32>
        %add3A_752 = arith.addi %add3A_751, %iota3A : vector<16xi32>
        %add3A_753 = arith.addi %broadcast_in_dim3A_749, %add3A_752 : vector<16xi32>
        tpu.vector_store_idx %arg15[%broadcast_in_dim3A_744, %add3A_753], %add3A_724 : memref<16x128xf32, #tpu.memory_space<vmem>>[vector<16xi32>, vector<16xi32>], vector<16xf32>,
        %add3A_754 = arith.constant 16 : i32
        %add3A_755 = vector.broadcast %add3A_754 : i32 to vector<16xi32>
        %add3A_756 = arith.addi %add3A_755, %iota3A : vector<16xi32>
        %add3A_757 = arith.addi %broadcast_in_dim3A_749, %add3A_756 : vector<16xi32>
        tpu.vector_store_idx %arg15[%broadcast_in_dim3A_744, %add3A_757], %add3A_730 : memref<16x128xf32, #tpu.memory_space<vmem>>[vector<16xi32>, vector<16xi32>], vector<16xf32>,
        %add3A_758 = arith.constant 32 : i32
        %add3A_759 = vector.broadcast %add3A_758 : i32 to vector<16xi32>
        %add3A_760 = arith.addi %add3A_759, %iota3A : vector<16xi32>
        %add3A_761 = arith.addi %broadcast_in_dim3A_749, %add3A_760 : vector<16xi32>
        tpu.vector_store_idx %arg15[%broadcast_in_dim3A_744, %add3A_761], %add3A_736 : memref<16x128xf32, #tpu.memory_space<vmem>>[vector<16xi32>, vector<16xi32>], vector<16xf32>,
        %add3A_762 = arith.constant 48 : i32
        %add3A_763 = vector.broadcast %add3A_762 : i32 to vector<16xi32>
        %add3A_764 = arith.addi %add3A_763, %iota3A : vector<16xi32>
        %add3A_765 = arith.addi %broadcast_in_dim3A_749, %add3A_764 : vector<16xi32>
        tpu.vector_store_idx %arg15[%broadcast_in_dim3A_744, %add3A_765], %add3A_742 : memref<16x128xf32, #tpu.memory_space<vmem>>[vector<16xi32>, vector<16xi32>], vector<16xf32>,
      }
      %scan3A_105 = arith.constant 32 : i32
      %jit3A = arith.constant 2 : i32
      %div3A = arith.divsi %add3A_11, %jit3A : i32
      %sign3A = arith.constant 0 : i32
      %sign3A_106 = arith.cmpi sgt, %add3A_11, %sign3A : i32
      %sign3A_107 = arith.extui %sign3A_106 : i1 to i32
      %sign3A_108 = arith.constant 0 : i32
      %sign3A_109 = arith.cmpi slt, %add3A_11, %sign3A_108 : i32
      %sign3A_110 = arith.extui %sign3A_109 : i1 to i32
      %sign3A_111 = arith.subi %sign3A_107, %sign3A_110 : i32
      %sign3A_112 = arith.constant 0 : i32
      %sign3A_113 = arith.cmpi sgt, %jit3A, %sign3A_112 : i32
      %sign3A_114 = arith.extui %sign3A_113 : i1 to i32
      %sign3A_115 = arith.constant 0 : i32
      %sign3A_116 = arith.cmpi slt, %jit3A, %sign3A_115 : i32
      %sign3A_117 = arith.extui %sign3A_116 : i1 to i32
      %sign3A_118 = arith.subi %sign3A_114, %sign3A_117 : i32
      %ne3A = arith.cmpi ne, %sign3A_111, %sign3A_118 : i32
      %rem3A = arith.remsi %add3A_11, %jit3A : i32
      %ne3A_119 = arith.constant 0 : i32
      %ne3A_120 = arith.cmpi ne, %rem3A, %ne3A_119 : i32
      %and3A = arith.andi %ne3A, %ne3A_120 : i1
      %sub3A = arith.constant 1 : i32
      %sub3A_121 = arith.subi %div3A, %sub3A : i32
      %select_n3A = arith.select %and3A, %sub3A_121, %div3A : i32
      %multiple_of3A = tpu.assume_multiple %select_n3A, 16 : i32
      "tpu.region"() ({
        %run_scoped3A = tpu.sem_alloc : memref<!tpu.dma_semaphore, #tpu.memory_space<semaphore_mem>>
        %dma_start3A_122 = arith.constant 0 : i32
        %dma_start3A_123 = tpu.memref_slice %arg8[%multiple_of3A, %dma_start3A_122] : memref<8192x128xf32, #tpu.memory_space<hbm>> -> memref<16x128xf32, #tpu.memory_space<hbm>>
        %dma_start3A_124 = arith.constant 0 : i32
        %dma_start3A_125 = tpu.memref_slice %arg8[%multiple_of3A, %dma_start3A_124] : memref<8192x128xf32, #tpu.memory_space<hbm>> -> memref<16x128xf32, #tpu.memory_space<hbm>>
        tpu.enqueue_dma source(%arg15 : memref<16x128xf32, #tpu.memory_space<vmem>>) target(%dma_start3A_125 : memref<16x128xf32, #tpu.memory_space<hbm>>) target_semaphore(%run_scoped3A : memref<!tpu.dma_semaphore, #tpu.memory_space<semaphore_mem>>)
        %dma_wait3A_126 = arith.constant 0 : i32
        %dma_wait3A_127 = tpu.memref_slice %arg8[%multiple_of3A, %dma_wait3A_126] : memref<8192x128xf32, #tpu.memory_space<hbm>> -> memref<16x128xf32, #tpu.memory_space<hbm>>
        %dma_wait3A_128 = arith.constant 0 : i32
        %dma_wait3A_129 = tpu.memref_slice %arg8[%multiple_of3A, %dma_wait3A_128] : memref<8192x128xf32, #tpu.memory_space<hbm>> -> memref<16x128xf32, #tpu.memory_space<hbm>>
        tpu.wait_dma2 semaphore(%run_scoped3A : memref<!tpu.dma_semaphore, #tpu.memory_space<semaphore_mem>>) src(%arg15 : memref<16x128xf32, #tpu.memory_space<vmem>>) dst(%dma_wait3A_129 : memref<16x128xf32, #tpu.memory_space<hbm>>)
        tpu.yield
      }) : () -> ()
    }
    %scan3A_7 = arith.constant 16 : i32
    return
  }
}

</mosaic_0001>

<sc_bundles>
// kernel: kernel.3.cloned.1.call-start
scs
__scs_entry_jumppad:
0x0: {  	(pc) =	sbr.rel $0x88, $3  }
0x1: {  	(tag) =	ssettag $0x0;
	lr =	simm.s32 $0x1  }
0x2: {  	[smem:$0x3F9D] =	sst lr;
	_ =	strace $0xD0000000  }
0x3: {  	_ = 	snop  }
0x4: {  	_ = 	snop  }
0x5: {  	_ = 	snop  }
0x6: {  	_ = 	snop  }
0x7: {  	_ = 	snop  }
__scs_overlays_trampoline_lowered:
0x8: {  	[smem:$0x3FAC] =	sst s0  }
0x9: {  	[smem:$0x3FAD] =	sst s1  }
0xa: {  	[smem:$0x3FAE] =	sst s2  }
0xb: {  	[smem:$0x3FAF] =	sst s3  }
0xc: {  	[smem:$0x3FB0] =	sst s4  }
0xd: {  	[smem:$0x3FB1] =	sst s5  }
0xe: {  	[smem:$0x3FB2] =	sst s6  }
0xf: {  	[smem:$0x3FB3] =	sst s7  }
0x10: {  	[smem:$0x3FB4] =	sst s8  }
0x11: {  	[smem:$0x3FB5] =	sst s9;
	s0 =	simm.s32 @!p0 $0x0  }
0x12: {  	s1 =	sld [smem:$0x3F9B];
	s0 =	simm.s32 @p0 $0x1  }
0x13: {  	[smem:$0x3FB6] =	sst s0;
	s0 =	simm.s32 @!p1 $0x0  }
0x14: {  	s2 =	sld [smem:$0x3F9A];
	s0 =	simm.s32 @p1 $0x1  }
0x15: {  	[smem:$0x3FB7] =	sst s0;
	s0 =	simm.s32 @!p2 $0x0  }
0x16: {  	s3 =	sld [smem:$0x3FDB];
	s0 =	simm.s32 @p2 $0x1  }
0x17: {  	s4 =	simm.s32 $0x1BF5;
	[smem:$0x3FB9] =	sst s0  }
0x18: {  	s0 =	sld [smem:$0x3F9C];
	_ =	swait.ge [sflag:s4], $0x0  }
0x19: {  	s7 =	sld [smem:$0x3F9D]  }
0x1a: {  	s8 =	sadd.s32 $0xFFFFE003, lr  }
0x1b: {  	s9 =	sadd.s32 $0xFFFFFEF7, lr;
	s5 =	simm.s32 $0xFFFFFFFF;
	p2 =	slt.u32 s8, $0xFFFFF086  }
0x1c: {  	p1 =	slt.u32 s9, $0xF7A;
	s5 =	simm.s32 @!p2 $0x0  }
0x1d: {  	s5 =	simm.s32 @p1 $0x1;
	p0 =	seq.s32 s7, s2  }
0x1e: {  	s7 =	smul.u32 @!p0 $0xF7A, s2;
	p2 =	seq.s32 @!p0 s5, $0x0  }
0x1f: {  	s9 =	smul.u32 $0xF7A, s1;
	s8 =	simm.s32 @!p0 $0x1BF5;
	p2 =	por !p2, p0  }
0x20: {  	[sflag:s8] =	ssyncset.s32 @!p0 $0xFFFFF086;
	s6 =	sadd.s32 @!p0 s3, s7;
	s7 =	simm.s32 @!p0 $0x108  }
0x21: {  	s3 =	sadd.s32 s3, s9;
	s6 =	sadd.s32 @!p0 $0x88, s6;
	s7 =	simm.s32 @p2 $0x1082  }
0x22: {  	[simem:s7], [sflag:s8] =	dma.local @!p0 [hbm:s6], $0xF7A  }
0x23: {  	s9 =	sor.u32 $0xD0000000, s2;
	s6 =	simm.s32 $0x108;
	_ =	swait.ge @!p0 [sflag:s8], $0x0  }
0x24: {  	s3 =	sadd.s32 $0x88, s3;
	s6 =	simm.s32 @!p1 $0x1082;
	[sflag:s4] =	ssyncset.s32 $0xFFFFF086  }
0x25: {  	[simem:s6], [sflag:s4] =	dma.local [hbm:s3], $0xF7A  }
0x26: {  	[smem:$0x3F9D] =	sst s1;
	(tag) =	ssettag s2;
	_ =	strace s9  }
0x27: {  	s1 =	sld [smem:$0x3FAD]  }
0x28: {  	s2 =	sld [smem:$0x3FAE]  }
0x29: {  	s4 =	sld [smem:$0x3FB0]  }
0x2a: {  	p0 =	seq.s32 s5, $0x0;
	s5 =	sld [smem:$0x3FB1]  }
0x2b: {  	s6 =	sld [smem:$0x3FB2]  }
0x2c: {  	s7 =	sld [smem:$0x3FB3]  }
0x2d: {  	s3 =	simm.s32 $0x108;
	s8 =	sld [smem:$0x3FB4]  }
0x2e: {  	s3 =	simm.s32 @!p0 $0x1082;
	s9 =	sld [smem:$0x3FB5]  }
0x2f: {  	lr =	sadd.s32 s0, s3;
	s0 =	sld [smem:$0x3FAC]  }
0x30: {  	s3 =	sld [smem:$0x3FAF]  }
0x31: {  	[smem:$0x3FB8] =	sst s10  }
0x32: {  	s10 =	sld [smem:$0x3FB6];
	_ =	sdelay $0x3  }
0x33: {  	p0 =	seq.s32 s10, $0x1;
	s10 =	sld [smem:$0x3FB8];
	_ =	sdelay $0x3  }
0x34: {  	[smem:$0x3FB8] =	sst s10  }
0x35: {  	s10 =	sld [smem:$0x3FB7];
	_ =	sdelay $0x3  }
0x36: {  	p1 =	seq.s32 s10, $0x1;
	s10 =	sld [smem:$0x3FB8];
	_ =	sdelay $0x3  }
0x37: {  	[smem:$0x3FB8] =	sst s10  }
0x38: {  	s10 =	sld [smem:$0x3FB9]  }
0x39: {  	_ = 	snop;
	(pc) =	sbr.ind lr, $3  }
0x3a: {  	_ = 	snop  }
0x3b: {  	_ = 	snop  }
0x3c: {  	p2 =	seq.s32 s10, $0x1;
	s10 =	sld [smem:$0x3FB8]  }
0x3d: {  	_ =	shalt  }
0x3e: {  	_ =	shalt  }
0x3f: {  	_ =	shalt  }
0x40: {  	_ =	shalt  }
0x41: {  	_ =	shalt  }
0x42: {  	_ =	shalt  }
0x43: {  	_ =	shalt  }
0x44: {  	_ =	shalt  }
0x45: {  	_ =	shalt  }
0x46: {  	_ =	shalt  }
0x47: {  	_ =	shalt  }
0x48: {  	_ =	shalt  }
0x49: {  	_ =	shalt  }
0x4a: {  	_ =	shalt  }
0x4b: {  	_ =	shalt  }
0x4c: {  	_ =	shalt  }
0x4d: {  	_ =	shalt  }
0x4e: {  	_ =	shalt  }
0x4f: {  	_ =	shalt  }
0x50: {  	_ =	shalt  }
0x51: {  	_ =	shalt  }
0x52: {  	_ =	shalt  }
0x53: {  	_ =	shalt  }
0x54: {  	_ =	shalt  }
0x55: {  	_ =	shalt  }
0x56: {  	_ =	shalt  }
0x57: {  	_ =	shalt  }
0x58: {  	_ =	shalt  }
0x59: {  	_ =	shalt  }
0x5a: {  	_ =	shalt  }
0x5b: {  	_ =	shalt  }
0x5c: {  	_ =	shalt  }
0x5d: {  	_ =	shalt  }
0x5e: {  	_ =	shalt  }
0x5f: {  	_ =	shalt  }
0x60: {  	_ =	shalt  }
0x61: {  	_ =	shalt  }
0x62: {  	_ =	shalt  }
0x63: {  	_ =	shalt  }
0x64: {  	_ =	shalt  }
0x65: {  	_ =	shalt  }
0x66: {  	_ =	shalt  }
0x67: {  	_ =	shalt  }
0x68: {  	_ =	shalt  }
0x69: {  	_ =	shalt  }
0x6a: {  	_ =	shalt  }
0x6b: {  	_ =	shalt  }
0x6c: {  	_ =	shalt  }
0x6d: {  	_ =	shalt  }
0x6e: {  	_ =	shalt  }
0x6f: {  	_ =	shalt  }
0x70: {  	_ =	shalt  }
0x71: {  	_ =	shalt  }
0x72: {  	_ =	shalt  }
0x73: {  	_ =	shalt  }
0x74: {  	_ =	shalt  }
0x75: {  	_ =	shalt  }
0x76: {  	_ =	shalt  }
0x77: {  	_ =	shalt  }
0x78: {  	_ =	shalt  }
0x79: {  	_ =	shalt  }
0x7a: {  	_ =	shalt  }
0x7b: {  	_ =	shalt  }
0x7c: {  	_ =	shalt  }
0x7d: {  	_ =	shalt  }
0x7e: {  	_ =	shalt  }
0x7f: {  	_ =	shalt  }
0x80: {  	_ =	shalt  }
0x81: {  	_ =	shalt  }
0x82: {  	_ =	shalt  }
0x83: {  	_ =	shalt  }
0x84: {  	_ =	shalt  }
0x85: {  	_ =	shalt  }
0x86: {  	_ =	shalt  }
0x87: {  	_ =	shalt  }
.Lfunc_end0:
.L_simem_size_0:
called_computation_lowered:
.L_overlay_start_0:
0x88: {  	s2 =	sld [smem:$0x3FD9]  }
0x89: {  	s3 =	sld [smem:$0x3FFE];
	_ =	sdelay $0x1  }
0x8a: {  	s1 =	srdreg.scid  }
0x8b: {  	s0 =	sand.u32 $0x1, s1  }
0x8c: {  	s17 =	sshll.u32 s0, $0xA;
	s2 =	sadd.s32 s3, s2  }
0x8d: {  	s2 =	sadd.s32 s2, s17  }
0x8e: {  	[smem:$0x3FC4] =	sst s2  }
0x8f: {  	_ = 	snop  }
0x90: {  	s2 =	sld [smem:$0x3FD0];
	(tm) =	ssettm $0x1  }
0x91: {  	s18 =	sld [smem:$0x3FFB];
	_ =	sdelay $0x3  }
0x92: {  	_ =	strace s18  }
0x93: {  	s3 =	sld [smem:$0x3FFC];
	_ =	sdelay $0x3  }
0x94: {  	_ =	strace s3  }
0x95: {  	s3 =	sld [smem:$0x3FFD];
	_ =	sdelay $0x3  }
0x96: {  	_ =	strace s3  }
0x97: {  	_ =	strace $0x8FFFFFFF  }
0x98: {  	s19 =	sld [smem:$0x3FDB];
	_ =	sdelay $0x1  }
0x99: {  	s4 =	simm.s32 $_scs_section_size  }
0x9a: {  	s5 =	simm.s32 $_size__tile_overlayer_lowered;
	s6 =	simm.s32 $_tile_overlayer_lowered  }
0x9b: {  	s22 =	simm.s32 $0x1BFF;
	s21 =	sshll.u32 s6, $0x1;
	s3 =	sadd.s32 s4, s19  }
0x9c: {  	s7 =	simm.s32 $0x0;
	s20 =	sshll.u32 s5, $0x1;
	s5 =	sadd.s32 s21, s3  }
0x9d: {  	[timem:s7], [sflag:s22] =	dma.local [hbm:s5], s20  }
0x9e: {  	_ =	swait.ge [sflag:s22], s20  }
0x9f: {  	s4 =	ssub.s32 $0x0, s20;
	[sflag:s22] =	ssyncset.done $0x0  }
0xa0: {  	[sflag:s22] =	ssyncadd.s32 s4;
	_ =	sdelay $0x1  }
0xa1: {  	s23 =	simm.s32 $0x1B8B  }
0xa2: {  	_ =	swait.ge [sflag:s23], $0x1  }
0xa3: {  	[sflag:s23] =	ssyncset.done $0x0  }
0xa4: {  	s25 =	simm.s32 $0x1B8E;
	s24 =	sld [smem:$0x3FFE];
	[sflag:s23] =	ssyncadd.s32 $0xFFFFFFFF  }
0xa5: {  	s26 =	simm.s32 $execute0_lowered;
	[smem:$0x3FD2] =	sst s25  }
0xa6: {  	s5 =	sshll.u32 s26, $0x1;
	_ =	strace $0x80000046;
	[dreg:$0x1] =	wrdreg $0xFFFFFFFF  }
0xa7: {  	s28 =	simm.s32 $_size_execute0_lowered;
	s3 =	sadd.s32 s3, s5;
	[dreg:$0x0] =	wrdreg $0x0  }
0xa8: {  	s5 =	sshll.u32 s28, $0x1;
	[dreg:$0x2] =	wrdreg s3  }
0xa9: {  	[dreg:$0x3] =	wrdreg s5  }
0xaa: {  	[dreg:$0x4] =	wrdreg $0xC0  }
0xab: {  	_ =	task [dreg:s7], $0x5FFFF  }
0xac: {  	[dreg:$0x1] =	wrdreg $0xFFFFFFFF  }
0xad: {  	[dreg:$0x0] =	wrdreg $0x60  }
0xae: {  	[dreg:$0x2] =	wrdreg s24  }
0xaf: {  	[dreg:$0x3] =	wrdreg s2  }
0xb0: {  	[dreg:$0x4] =	wrdreg $0x9  }
0xb1: {  	_ =	task.clear_ibuf [dreg:s7], $0x5FFFF;
	_ =	strace $0x90000046  }
0xb2: {  	s29 =	simm.s32 $0x9;
	_ =	strace $0x80000048  }
0xb3: {  	_ =	swait.ge [sflag:s29], $0x1  }
0xb4: {  	[sflag:s29] =	ssyncadd.s32 $0xFFFFFFFF  }
0xb5: {  	_ =	strace $0x90000048  }
0xb6: {  	_ =	sfence  }
0xb7: {  	s30 =	sld [smem:$0x0];
	_ =	sdelay $0x2  }
0xb8: {  	s31 =	sshll.u32 s1, $0xD;
	s1 =	sshrl.u32 s1, $0x2  }
0xb9: {  	s3 =	sand.u32 $0x4000, s31;
	s1 =	sadd.s32 s1, s30  }
0xba: {  	s0 =	sor.u32 s3, s0;
	s1 =	sshll.u32 s1, $0x11  }
0xbb: {  	s0 =	sor.u32 s1, s0  }
0xbc: {  	s0 =	sadd.s32 $0x8F2B, s0  }
0xbd: {  	[sflag:s0] =	ssyncadd.remote.s32 $0x1  }
0xbe: {  	_ =	sfence.sel $0xFFFF  }
0xbf: {  	[dreg:$0x0] =	wrdreg $0xFFFFFFFF;
	(pc) =	sbr.abs _section_cstart, $3  }
0xc0: {  	[dreg:$0x1] =	wrdreg $0xFFFFFFFF  }
0xc1: {  	_ =	task.clear_ibuf [dreg:s7], $0x2FFFF;
	_ =	strace $0x9FFFFFFF  }
0xc2: {  	(tm) =	ssettm $0x7FFFFFFF  }
0xc3: {  	_ =	shalt  }
tec
execute0_lowered:
.L_overlay_start_1:
0x0: {  	(tag) =	ssettag $0x1  }
0x1: {  	s0 =	rddreg [dreg:$0x0];
	s1 =	simm.s32 $0x0;
	s30 =	srdreg.scid  }
0x2: {  	s2 =	stileid.u32;
	s12 =	simm.s32 $0x2;
	s13 =	simm.s32 $0x80  }
0x3: {  	s14 =	simm.s32 $0x300;
	s15 =	simm.s32 $0x380;
	s17 =	simm.s32 $0x600  }
0x4: {  	s18 =	simm.s32 $0x1600;
	s21 =	simm.s32 $0x180;
	s22 =	simm.s32 $0x9600  }
0x5: {  	s23 =	simm.s32 $0x200;
	s24 =	simm.s32 $0xD600;
	s25 =	simm.s32 $0x280  }
0x6: {  	s26 =	simm.s32 $0x11600;
	s28 =	simm.s32 $0x1;
	s29 =	simm.s32 $0x15600  }
0x7: {  	[smem:$0x7FF] =	sst s1;
	s3 =	sadd.s32 $0x15200, s0;
	s1 =	sand.u32 $0x1, s30  }
0x8: {  	s4 =	sadd.s32 $0x14A00, s0;
	s6 =	sadd.s32 $0xA00, s0;
	s5 =	ssub.s32 $0x2, s1  }
0x9: {  	s7 =	sadd.s32 $0xAA00, s0;
	s8 =	sadd.s32 $0xF57E00, s0;
	s9 =	sshrl.u32 s5, $0x1  }
0xa: {  	v61 =	vlaneseq.u32;
	s10 =	sshll.u32 s2, $0xA;
	s1 =	sshll.u32 s1, $0x9;
	s5 =	ssub.s32 s5, s9  }
0xb: {  	v53 =	vor.u32 $0x20, v61;
	_ =	strace $0x80000047;
	s10 =	sor.u32 s1, s10;
	s31 =	smax.u32 s5, $0x1  }
0xc: {  	v3 =	vor.u32 $0x10, v61;
	v62 =	vor.u32 $0x30, v61;
	[tilespmem:$0x1FFF0] =	vst v53;
	s1 =	simm.s32 $0x0;
	s9 =	sadd.s32 $0x1E9A200, s0;
	[dreg:$0x3] =	wrdreg s31  }
.LBB2_1:
0xd: {  	[dreg:$0x4] =	wrdreg s1;
	s31 =	simm.s32 $0x0  }
.LBB2_2:
0xe: {  	s0 =	sshll.u32 s31, $0x5  }
0xf: {  	s0 =	sadd.s32 s10, s0  }
0x10: {  	s1 =	sshrl.u32 s0, $0x3  }
0x11: {  	s5 =	simm.s32 $0x0;
	s2 =	smul.u32 $0x14, s0;
	s11 =	sadd.s32 s3, s1  }
0x12: {  	[tilespmem:s5], [sflag:$0x2] =	stream.linear.gather [hbm4b:s11+s5], $0x20, $0x38;
	[tilespmem:$0x15E00] =	vst v63  }
0x13: {  	_ =	swait.ge [sflag:s12], $0x20  }
0x14: {  	s11 =	sshrl.u32 s2, $0x3;
	[sflag:s12] =	ssyncset.done $0x0  }
0x15: {  	s30 =	sadd.s32 s6, s11;
	[sflag:s12] =	ssyncadd.s32 $0xFFFFFFE0  }
0x16: {  	[tilespmem:s13], [sflag:$0x2] =	stream.linear.gather [hbm4b:s30+s5], $0x280, $0x38;
	[tilespmem:$0x15E00] =	vst v63  }
0x17: {  	_ =	swait.ge [sflag:s12], $0x280  }
0x18: {  	[sflag:s12] =	ssyncset.done $0x0  }
0x19: {  	s1 =	sadd.s32 s4, s1;
	[sflag:s12] =	ssyncadd.s32 $0xFFFFFD80  }
0x1a: {  	[tilespmem:s14], [sflag:$0x2] =	stream.linear.gather [hbm4b:s1+s5], $0x20, $0x38;
	[tilespmem:$0x15E00] =	vst v63  }
0x1b: {  	_ =	swait.ge [sflag:s12], $0x20  }
0x1c: {  	[sflag:s12] =	ssyncset.done $0x0  }
0x1d: {  	s16 =	sadd.s32 s7, s11;
	[sflag:s12] =	ssyncadd.s32 $0xFFFFFFE0  }
0x1e: {  	[tilespmem:s15], [sflag:$0x2] =	stream.linear.gather [hbm4b:s16+s5], $0x280, $0x38;
	[tilespmem:$0x15E00] =	vst v63  }
0x1f: {  	_ =	swait.ge [sflag:s12], $0x280  }
0x20: {  	[sflag:s12] =	ssyncset.done $0x0  }
0x21: {  	s19 =	simm.s32 $0x20;
	[sflag:s12] =	ssyncadd.s32 $0xFFFFFD80  }
0x22: {  	[tilespmem:s17], [sflag:$0x1] =	stream.indirect.gather [hbm4b:s8+s19], $0x80, s5, s19, $0xb8;
	[tilespmem:$0x15E00] =	vst v63  }
0x23: {  	_ = 	snop  }
0x24: {  	[tilespmem:s18], [sflag:$0x1] =	stream.indirect.gather [hbm4b:s9+s13], $0x80, s13, s13, $0xb8;
	[tilespmem:$0x15E00] =	vst v63  }
0x25: {  	s20 =	simm.s32 $0x100;
	s2 =	simm.s32 $0x5600  }
0x26: {  	[tilespmem:s2], [sflag:$0x1] =	stream.indirect.gather [hbm4b:s9+s13], $0x80, s20, s13, $0xb8;
	[tilespmem:$0x15E00] =	vst v63  }
0x27: {  	_ = 	snop  }
0x28: {  	[tilespmem:s22], [sflag:$0x1] =	stream.indirect.gather [hbm4b:s9+s13], $0x80, s21, s13, $0xb8;
	[tilespmem:$0x15E00] =	vst v63  }
0x29: {  	_ = 	snop  }
0x2a: {  	[tilespmem:s24], [sflag:$0x1] =	stream.indirect.gather [hbm4b:s9+s13], $0x80, s23, s13, $0xb8;
	[tilespmem:$0x15E00] =	vst v63  }
0x2b: {  	_ = 	snop  }
0x2c: {  	[tilespmem:s26], [sflag:$0x1] =	stream.indirect.gather [hbm4b:s9+s13], $0x80, s25, s13, $0xb8;
	[tilespmem:$0x15E00] =	vst v63  }
0x2d: {  	_ =	swait.ge [sflag:s28], $0x1000  }
0x2e: {  	[sflag:s28] =	ssyncset.done $0x0  }
0x2f: {  	[sflag:s28] =	ssyncadd.s32 $0xFFFFF000  }
0x30: {  	_ =	swait.ge [sflag:s28], $0x4000  }
0x31: {  	[sflag:s28] =	ssyncset.done $0x0  }
0x32: {  	[sflag:s28] =	ssyncadd.s32 $0xFFFFC000  }
0x33: {  	_ =	swait.ge [sflag:s28], $0x4000  }
0x34: {  	[sflag:s28] =	ssyncset.done $0x0  }
0x35: {  	[sflag:s28] =	ssyncadd.s32 $0xFFFFC000  }
0x36: {  	_ =	swait.ge [sflag:s28], $0x4000  }
0x37: {  	[sflag:s28] =	ssyncset.done $0x0  }
0x38: {  	[sflag:s28] =	ssyncadd.s32 $0xFFFFC000  }
0x39: {  	s2 =	simm.s32 $0x1;
	_ =	swait.ge [sflag:s28], $0x4000  }
0x3a: {  	v1 =	vmov s2;
	[sflag:s28] =	ssyncset.done $0x0  }
0x3b: {  	v4 =	vmov s5;
	s11 =	simm.s32 $0x0;
	s30 =	simm.s32 $0x12;
	[sflag:s28] =	ssyncadd.s32 $0xFFFFC000  }
0x3c: {  	v7 =	vmov s11;
	v0 =	vmov s30;
	s30 =	simm.s32 $0xF;
	s19 =	simm.s32 $0x2;
	_ =	swait.ge [sflag:s28], $0x4000  }
0x3d: {  	v32 =	vshll.u32 v4, $0x7;
	s16 =	simm.s32 $0x13;
	v8 =	vmov s19;
	s20 =	simm.s32 $0x3;
	[sflag:s28] =	ssyncset.done $0x0  }
0x3e: {  	v15 =	vmov s30;
	s30 =	simm.s32 $0xC;
	v19 =	vmov s16;
	s16 =	simm.s32 $0x4;
	v9 =	vmov s20;
	[sflag:s28] =	ssyncadd.s32 $0xFFFFC000  }
0x3f: {  	v42 =	vshll.u32 v0, $0x7;
	v21 =	vmov s30;
	s30 =	simm.s32 $0xB;
	v10 =	vmov s16;
	s20 =	simm.s32 $0x5;
	v2 =	vld.idx.msk [tilespmem:v1+s15+$0x0], $0xffff  }
0x40: {  	v45 =	vshll.u32 v15, $0x7;
	v17 =	vmov s30;
	s30 =	simm.s32 $0xA;
	s16 =	simm.s32 $0x6;
	v11 =	vmov s20;
	v26 =	vld.idx.msk [tilespmem:v4+s14+$0x0], $0xffff  }
0x41: {  	v20 =	vshll.u32 v21, $0x7;
	v24 =	vmov s30;
	v13 =	vmov s16;
	s20 =	simm.s32 $0x7;
	v5 =	vld.idx.msk [tilespmem:v7+s15+$0x0], $0xffff  }
0x42: {  	v33 =	vshll.u32 v17, $0x7;
	v51 =	vshll.u32 v24, $0x7;
	s16 =	simm.s32 $0x8;
	v14 =	vmov s20;
	v28 =	vld.idx.msk [tilespmem:v8+s15+$0x0], $0xffff  }
0x43: {  	v6 =	vshll.u32 v19, $0x7;
	v63 =	vshll.u32 v10, $0x7;
	v25 =	vmov s16;
	s19 =	simm.s32 $0x10;
	v27 =	vld.idx.msk [tilespmem:v9+s15+$0x0], $0xffff  }
0x44: {  	v48 =	vshll.u32 v13, $0x7;
	v57 =	vshll.u32 v25, $0x7;
	v12 =	vmov s19;
	s19 =	simm.s32 $0xD;
	s2 =	simm.s32 $0x11;
	v29 =	vld.idx.msk [tilespmem:v10+s15+$0x0], $0xffff  }
0x45: {  	v23 =	vmov s19;
	v44 =	vshll.u32 v12, $0x7;
	v18 =	vmov s2;
	s2 =	simm.s32 $0xE;
	v30 =	vld.idx.msk [tilespmem:v11+s15+$0x0], $0xffff;
	[tilespmem:$0x1FF80] =	vst v2  }
0x46: {  	v47 =	vshll.u32 v23, $0x7;
	v22 =	vmov s2;
	s2 =	simm.s32 $0x9;
	v43 =	vshll.u32 v18, $0x7;
	v35 =	vld.idx.msk [tilespmem:v13+s15+$0x0], $0xffff;
	[tilespmem:$0x1FBB0] =	vst v26  }
0x47: {  	v54 =	vshll.u32 v11, $0x7;
	v16 =	vmov s2;
	v46 =	vshll.u32 v22, $0x7;
	v60 =	vld.idx.msk [tilespmem:v14+s15+$0x0], $0xffff;
	[tilespmem:$0x1FDE0] =	vst v5  }
0x48: {  	v59 =	vshll.u32 v14, $0x7;
	v56 =	vshll.u32 v16, $0x7;
	v55 =	vld.idx.msk [tilespmem:v25+s15+$0x0], $0xffff;
	v14 =	vshll.u32 v9, $0x7;
	[tilespmem:$0x1FB90] =	vst v28  }
0x49: {  	[tilespmem:$0x1FB50] =	vst v29;
	v4 =	vadd.s32 v61, v2;
	v25 =	vadd.s32 v61, v26;
	v9 =	vadd.s32 v61, v5  }
0x4a: {  	v5 =	vshll.u32 v8, $0x7;
	v26 =	vadd.s32 v61, v28;
	v2 =	vmovc v27;
	[tilespmem:$0x1FD30] =	vst v27;
	v27 =	vadd.s32 v61, v27  }
0x4b: {  	[tilespmem:$0x1FB70] =	vst v30;
	v28 =	vadd.s32 v61, v29;
	v30 =	vadd.s32 v61, v30;
	v29 =	vadd.s32 v61, v35  }
0x4c: {  	v11 =	vadd.s32 v3, v35;
	v34 =	vadd.s32 v61, v60;
	v8 =	vadd.s32 v3, v2  }
0x4d: {  	v2 =	vshll.u32 v7, $0x7;
	v7 =	vand.u32 $0xFFFFFF80, v25;
	v25 =	vand.u32 $0x7F, v25  }
0x4e: {  	v31 =	vld.idx.msk [tilespmem:v16+s15+$0x0], $0xffff;
	v36 =	vand.u32 $0xFFFFFF80, v9;
	v9 =	vand.u32 $0x7F, v9;
	v7 =	vadd.s32 v32, v7  }
0x4f: {  	v38 =	vld.idx.msk [tilespmem:v24+s15+$0x0], $0xffff;
	[tilespmem:$0x1FB30] =	vst v2;
	v36 =	vadd.s32 v2, v36;
	v2 =	vshll.u32 v1, $0x7;
	v1 =	vand.u32 $0xFFFFFF80, v4  }
0x50: {  	v10 =	vld.idx.msk [tilespmem:v17+s15+$0x0], $0xffff;
	v4 =	vand.u32 $0x7F, v4;
	v25 =	vor.u32 v25, v7;
	v1 =	vadd.s32 v2, v1  }
0x51: {  	v7 =	vld.idx.msk [tilespmem:v21+s15+$0x0], $0xffff;
	v9 =	vor.u32 v9, v36;
	v21 =	vor.u32 v4, v1;
	v1 =	vand.u32 $0xFFFFFF80, v26  }
0x52: {  	v4 =	vand.u32 $0x7F, v26;
	v26 =	vand.u32 $0xFFFFFF80, v27;
	v1 =	vadd.s32 v5, v1  }
0x53: {  	[tilespmem:$0x1FF20] =	vst v35;
	v26 =	vadd.s32 v14, v26;
	v40 =	vor.u32 v4, v1;
	v4 =	vand.u32 $0x7F, v27  }
0x54: {  	v24 =	vadd.s32 v61, v55;
	v16 =	vadd.s32 v3, v55;
	v26 =	vor.u32 v4, v26;
	v4 =	vld.idx.msk [tilespmem:v23+s15+$0x0], $0xffff  }
0x55: {  	v35 =	vadd.s32 v61, v31;
	v17 =	vadd.s32 v3, v31;
	v37 =	vadd.s32 v61, v10;
	v25 =	vld.idx.msk [tilespmem:v25+s17+$0x0], $0xffff  }
0x56: {  	v52 =	vand.u32 $0xFFFFFF80, v24;
	v36 =	vadd.s32 v61, v38;
	v1 =	vadd.s32 v3, v10;
	v39 =	vld.idx.msk [tilespmem:v9+s18+$0x0], $0xffff  }
0x57: {  	v15 =	vld.idx.msk [tilespmem:v15+s15+$0x0], $0xffff;
	v23 =	vand.u32 $0x7F, v28;
	v9 =	vand.u32 $0xFFFFFF80, v28;
	v28 =	vand.u32 $0xFFFFFF80, v30  }
0x58: {  	v41 =	vld.idx.msk [tilespmem:v21+s18+$0x0], $0xffff;
	v9 =	vadd.s32 v63, v9;
	v21 =	vand.u32 $0x7F, v30;
	v28 =	vadd.s32 v54, v28  }
0x59: {  	v27 =	vadd.s32 v61, v7;
	v23 =	vor.u32 v23, v9;
	v28 =	vor.u32 v21, v28  }
0x5a: {  	v9 =	vand.u32 $0xFFFFFF80, v29;
	v21 =	vadd.s32 v3, v7;
	v29 =	vand.u32 $0x7F, v29;
	v30 =	vld.idx.msk [tilespmem:v40+s18+$0x0], $0xffff  }
0x5b: {  	v50 =	vadd.s32 v48, v9;
	v9 =	vld.idx.msk [tilespmem:v22+s15+$0x0], $0xffff;
	v40 =	vadd.s32 v61, v4;
	v22 =	vadd.f32 v39, v25  }
0x5c: {  	[tilespmem:$0x1FB40] =	vst v2;
	v2 =	vld.idx.msk [tilespmem:v18+s15+$0x0], $0xffff;
	v25 =	vor.u32 v29, v50;
	v29 =	vand.u32 $0xFFFFFF80, v34;
	v34 =	vand.u32 $0x7F, v34  }
0x5d: {  	v26 =	vld.idx.msk [tilespmem:v26+s18+$0x0], $0xffff;
	v50 =	vadd.s32 v61, v15;
	v29 =	vadd.s32 v59, v29;
	v22 =	vadd.f32 v41, v22  }
0x5e: {  	v29 =	vor.u32 v34, v29;
	v58 =	vld.idx.msk [tilespmem:v23+s18+$0x0], $0xffff;
	v23 =	vand.u32 $0x7F, v24;
	v24 =	vadd.s32 v57, v52  }
0x5f: {  	v41 =	vadd.s32 v3, v4;
	v24 =	vor.u32 v23, v24;
	v23 =	vand.u32 $0xFFFFFF80, v35  }
0x60: {  	[tilespmem:$0x1FB20] =	vst v32;
	v49 =	vadd.s32 v61, v9;
	v32 =	vadd.s32 v3, v9;
	v22 =	vadd.f32 v30, v22  }
0x61: {  	v30 =	vand.u32 $0x7F, v35;
	v23 =	vadd.s32 v56, v23;
	v18 =	vand.u32 $0xFFFFFF80, v49  }
0x62: {  	v28 =	vld.idx.msk [tilespmem:v28+s18+$0x0], $0xffff;
	v34 =	vand.u32 $0x7F, v49;
	v49 =	vadd.s32 v61, v2;
	v35 =	vor.u32 v30, v23  }
0x63: {  	v25 =	vld.idx.msk [tilespmem:v25+s18+$0x0], $0xffff;
	v18 =	vadd.s32 v46, v18;
	v22 =	vadd.f32 v26, v22;
	v26 =	vand.u32 $0xFFFFFF80, v36  }
0x64: {  	v30 =	vand.u32 $0x7F, v36;
	v23 =	vld.idx.msk [tilespmem:v12+s15+$0x0], $0xffff;
	v18 =	vor.u32 v34, v18;
	v26 =	vadd.s32 v51, v26  }
0x65: {  	v12 =	vadd.f32 v58, v22;
	v22 =	vand.u32 $0xFFFFFF80, v37;
	v26 =	vor.u32 v30, v26;
	v30 =	vld.idx.msk [tilespmem:v19+s15+$0x0], $0xffff  }
0x66: {  	v52 =	vld.idx.msk [tilespmem:v29+s18+$0x0], $0xffff;
	v37 =	vand.u32 $0x7F, v37;
	v19 =	vand.u32 $0xFFFFFF80, v27;
	v27 =	vand.u32 $0x7F, v27  }
0x67: {  	v22 =	vadd.s32 v33, v22;
	v19 =	vadd.s32 v20, v19;
	v12 =	vadd.f32 v28, v12  }
0x68: {  	v24 =	vld.idx.msk [tilespmem:v24+s18+$0x0], $0xffff;
	v22 =	vor.u32 v37, v22;
	v37 =	vadd.s32 v3, v15;
	v19 =	vor.u32 v27, v19  }
0x69: {  	v27 =	vadd.s32 v61, v23;
	v12 =	vadd.f32 v25, v12;
	v25 =	vand.u32 $0xFFFFFF80, v40  }
0x6a: {  	v28 =	vand.u32 $0x7F, v40;
	v35 =	vld.idx.msk [tilespmem:v35+s18+$0x0], $0xffff;
	v25 =	vadd.s32 v47, v25;
	v58 =	vadd.s32 v3, v30  }
0x6b: {  	v12 =	vadd.f32 v52, v12;
	v28 =	vor.u32 v28, v25;
	v52 =	vand.u32 $0xFFFFFF80, v27  }
0x6c: {  	v26 =	vld.idx.msk [tilespmem:v26+s18+$0x0], $0xffff;
	v25 =	vadd.s32 v61, v30;
	v27 =	vand.u32 $0x7F, v27;
	v34 =	vadd.s32 v44, v52  }
0x6d: {  	v40 =	vld.idx.msk [tilespmem:v0+s15+$0x0], $0xffff;
	v12 =	vadd.f32 v24, v12;
	v24 =	vand.u32 $0xFFFFFF80, v25;
	v25 =	vand.u32 $0x7F, v25  }
0x6e: {  	v22 =	vld.idx.msk [tilespmem:v22+s18+$0x0], $0xffff;
	v34 =	vor.u32 v27, v34;
	v27 =	vand.u32 $0xFFFFFF80, v49;
	v24 =	vadd.s32 v6, v24  }
0x6f: {  	v27 =	vadd.s32 v43, v27;
	v0 =	vor.u32 v25, v24;
	v12 =	vadd.f32 v35, v12  }
0x70: {  	v19 =	vld.idx.msk [tilespmem:v19+s18+$0x0], $0xffff;
	v25 =	vand.u32 $0x7F, v58;
	v35 =	vand.u32 $0x7F, v49;
	[tilespmem:$0x1FF30] =	vst v0;
	v0 =	vand.u32 $0xFFFFFF80, v58  }
0x71: {  	v49 =	vand.u32 $0x7F, v32;
	v0 =	vadd.s32 v6, v0;
	v12 =	vadd.f32 v26, v12  }
0x72: {  	v28 =	vld.idx.msk [tilespmem:v28+s18+$0x0], $0xffff;
	v35 =	vor.u32 v35, v27;
	v26 =	vadd.s32 v3, v2;
	v24 =	vor.u32 v25, v0  }
0x73: {  	v0 =	vand.u32 $0xFFFFFF80, v50;
	v12 =	vadd.f32 v22, v12;
	v22 =	vadd.s32 v61, v40  }
0x74: {  	v50 =	vand.u32 $0x7F, v50;
	v27 =	vand.u32 $0x7F, v22;
	v22 =	vand.u32 $0xFFFFFF80, v22  }
0x75: {  	v18 =	vld.idx.msk [tilespmem:v18+s18+$0x0], $0xffff;
	v0 =	vadd.s32 v45, v0;
	v12 =	vadd.f32 v19, v12;
	v22 =	vadd.s32 v42, v22  }
0x76: {  	v0 =	vor.u32 v50, v0;
	v19 =	vadd.s32 v3, v40;
	v25 =	vor.u32 v27, v22  }
0x77: {  	v22 =	vadd.s32 v3, v23;
	v58 =	vadd.f32 v28, v12;
	v12 =	vand.u32 $0xFFFFFF80, v19  }
0x78: {  	v27 =	vand.u32 $0x7F, v26;
	v19 =	vand.u32 $0x7F, v19;
	v28 =	vadd.s32 v42, v12  }
0x79: {  	v28 =	vor.u32 v19, v28;
	v19 =	vand.u32 $0xFFFFFF80, v26;
	v26 =	vand.u32 $0xFFFFFF80, v22  }
0x7a: {  	v18 =	vadd.f32 v18, v58;
	v22 =	vand.u32 $0x7F, v22;
	v26 =	vadd.s32 v44, v26  }
0x7b: {  	v19 =	vadd.s32 v43, v19;
	v26 =	vor.u32 v22, v26;
	v22 =	vand.u32 $0xFFFFFF80, v41  }
0x7c: {  	v50 =	vld.idx.msk [tilespmem:v0+s18+$0x0], $0xffff;
	v39 =	vor.u32 v27, v19;
	v19 =	vand.u32 $0x7F, v41;
	v22 =	vadd.s32 v47, v22  }
0x7d: {  	v58 =	vand.u32 $0xFFFFFF80, v21;
	v19 =	vor.u32 v19, v22;
	v22 =	vand.u32 $0xFFFFFF80, v32  }
0x7e: {  	v27 =	vand.u32 $0x7F, v37;
	v41 =	vand.u32 $0xFFFFFF80, v37;
	v22 =	vadd.s32 v46, v22  }
0x7f: {  	v36 =	vadd.s32 v45, v41;
	v0 =	vor.u32 v49, v22;
	v22 =	vand.u32 $0xFFFFFF80, v1  }
0x80: {  	v12 =	vor.u32 v27, v36;
	v1 =	vand.u32 $0x7F, v1;
	v22 =	vadd.s32 v33, v22  }
0x81: {  	v36 =	vadd.s32 v20, v58;
	v32 =	vadd.f32 v50, v18;
	v52 =	vor.u32 v1, v22  }
0x82: {  	v1 =	vadd.s32 v3, v38;
	v22 =	vand.u32 $0xFFFFFF80, v16;
	v16 =	vand.u32 $0x7F, v16  }
0x83: {  	v22 =	vadd.s32 v57, v22;
	v18 =	vand.u32 $0x7F, v1;
	v1 =	vand.u32 $0xFFFFFF80, v1  }
0x84: {  	v49 =	vor.u32 v16, v22;
	v22 =	vand.u32 $0xFFFFFF80, v17;
	v1 =	vadd.s32 v51, v1  }
0x85: {  	v17 =	vand.u32 $0x7F, v17;
	v58 =	vor.u32 v18, v1;
	v1 =	vand.u32 $0xFFFFFF80, v11  }
0x86: {  	v16 =	vld [tilespmem:$0x1FB50];
	v22 =	vadd.s32 v56, v22;
	v11 =	vand.u32 $0x7F, v11;
	v1 =	vadd.s32 v48, v1  }
0x87: {  	v41 =	vor.u32 v17, v22;
	v22 =	vld.idx.msk [tilespmem:v34+s18+$0x0], $0xffff;
	v50 =	vor.u32 v11, v1;
	v1 =	vand.u32 $0xFFFFFF80, v8  }
0x88: {  	[tilespmem:$0x1FB60] =	vst v14;
	v13 =	vadd.s32 v3, v60;
	v1 =	vadd.s32 v14, v1;
	v14 =	vld [tilespmem:$0x1FB70]  }
0x89: {  	v21 =	vand.u32 $0x7F, v21;
	v17 =	vand.u32 $0x7F, v13;
	v13 =	vand.u32 $0xFFFFFF80, v13  }
0x8a: {  	v21 =	vor.u32 v21, v36;
	v36 =	vld [tilespmem:$0x1FB90];
	v13 =	vadd.s32 v59, v13  }
0x8b: {  	v8 =	vand.u32 $0x7F, v8;
	v18 =	vor.u32 v17, v13;
	v11 =	vadd.s32 v3, v16  }
0x8c: {  	v1 =	vor.u32 v8, v1;
	v17 =	vand.u32 $0xFFFFFF80, v11;
	v13 =	vadd.f32 v22, v32;
	v22 =	vld.idx.msk [tilespmem:v35+s18+$0x0], $0xffff  }
0x8d: {  	v11 =	vand.u32 $0x7F, v11;
	v17 =	vadd.s32 v63, v17;
	v8 =	vadd.s32 v3, v14  }
0x8e: {  	v17 =	vor.u32 v11, v17;
	v37 =	vand.u32 $0xFFFFFF80, v8  }
0x8f: {  	v11 =	vadd.s32 v3, v36;
	v8 =	vand.u32 $0x7F, v8;
	v34 =	vadd.s32 v54, v37  }
0x90: {  	[tilespmem:$0x1FBA0] =	vst v54;
	v27 =	vmov v48;
	v48 =	vand.u32 $0xFFFFFF80, v11;
	v54 =	vor.u32 v8, v34  }
0x91: {  	v29 =	vmovc v5;
	v8 =	vand.u32 $0x7F, v11;
	v11 =	vadd.s32 v5, v48;
	v5 =	vadd.f32 v22, v13  }
0x92: {  	[tilespmem:$0x1FC80] =	vst v43;
	v22 =	vor.u32 v8, v11;
	v8 =	vadd.s32 v62, v30  }
0x93: {  	[tilespmem:$0x1FBC0] =	vst v5;
	v13 =	vand.u32 $0xFFFFFF80, v8;
	v5 =	vand.u32 $0x7F, v8  }
0x94: {  	v11 =	vadd.s32 v53, v30;
	[tilespmem:$0x1FBD0] =	vst v5;
	v5 =	vadd.s32 v6, v13  }
0x95: {  	[tilespmem:$0x1FBF0] =	vst v5;
	v5 =	vand.u32 $0x7F, v11  }
0x96: {  	v8 =	vadd.s32 v62, v40;
	v13 =	vadd.s32 v53, v40;
	[tilespmem:$0x1FC00] =	vst v5;
	v5 =	vand.u32 $0xFFFFFF80, v11  }
0x97: {  	v11 =	vand.u32 $0xFFFFFF80, v8;
	[tilespmem:$0x1FC10] =	vst v5;
	v5 =	vand.u32 $0x7F, v8;
	v8 =	vadd.s32 v62, v2  }
0x98: {  	[tilespmem:$0x1FC20] =	vst v5;
	v5 =	vadd.s32 v42, v11;
	v11 =	vadd.s32 v53, v2;
	v2 =	vand.u32 $0x7F, v13  }
0x99: {  	[tilespmem:$0x1FC50] =	vst v2;
	v2 =	vand.u32 $0xFFFFFF80, v13  }
0x9a: {  	v30 =	vand.u32 $0xFFFFFF80, v8;
	[tilespmem:$0x1FC60] =	vst v2;
	v2 =	vand.u32 $0x7F, v8  }
0x9b: {  	[tilespmem:$0x1FC70] =	vst v2;
	v2 =	vadd.s32 v43, v30  }
0x9c: {  	v8 =	vadd.s32 v62, v23;
	[tilespmem:$0x1FC90] =	vst v2;
	v2 =	vand.u32 $0x7F, v11  }
0x9d: {  	v43 =	vand.u32 $0xFFFFFF80, v11;
	v11 =	vand.u32 $0xFFFFFF80, v8;
	[tilespmem:$0x1FCA0] =	vst v2;
	v2 =	vand.u32 $0x7F, v8  }
0x9e: {  	v13 =	vadd.s32 v53, v23;
	[tilespmem:$0x1FCB0] =	vst v2;
	v2 =	vadd.s32 v44, v11  }
0x9f: {  	[tilespmem:$0x1FCD0] =	vst v2;
	v2 =	vand.u32 $0x7F, v13  }
0xa0: {  	v8 =	vadd.s32 v62, v15;
	[tilespmem:$0x1FCE0] =	vst v2;
	v2 =	vand.u32 $0xFFFFFF80, v13  }
0xa1: {  	v13 =	vand.u32 $0xFFFFFF80, v8;
	[tilespmem:$0x1FCF0] =	vst v2;
	v2 =	vand.u32 $0x7F, v8  }
0xa2: {  	v11 =	vadd.s32 v53, v15;
	[tilespmem:$0x1FD00] =	vst v2;
	v2 =	vadd.s32 v45, v13  }
0xa3: {  	[tilespmem:$0x1FD20] =	vst v2;
	v2 =	vand.u32 $0x7F, v11  }
0xa4: {  	v8 =	vadd.s32 v62, v9;
	[tilespmem:$0x1FD40] =	vst v2;
	v2 =	vand.u32 $0xFFFFFF80, v11  }
0xa5: {  	v13 =	vand.u32 $0xFFFFFF80, v8;
	[tilespmem:$0x1FD50] =	vst v2;
	v2 =	vand.u32 $0x7F, v8  }
0xa6: {  	v9 =	vadd.s32 v53, v9;
	[tilespmem:$0x1FD60] =	vst v2;
	v2 =	vadd.s32 v46, v13  }
0xa7: {  	[tilespmem:$0x1FD80] =	vst v2;
	v2 =	vand.u32 $0x7F, v9  }
0xa8: {  	v8 =	vadd.s32 v62, v4;
	[tilespmem:$0x1FD90] =	vst v2;
	v2 =	vand.u32 $0xFFFFFF80, v9  }
0xa9: {  	[tilespmem:$0x1FDA0] =	vst v2;
	v2 =	vand.u32 $0x7F, v8;
	v8 =	vand.u32 $0xFFFFFF80, v8  }
0xaa: {  	v9 =	vadd.s32 v53, v4;
	[tilespmem:$0x1FDB0] =	vst v2;
	v2 =	vadd.s32 v47, v8  }
0xab: {  	[tilespmem:$0x1FDD0] =	vst v2;
	v2 =	vand.u32 $0x7F, v9  }
0xac: {  	v11 =	vadd.s32 v62, v7;
	[tilespmem:$0x1FDF0] =	vst v2;
	v2 =	vand.u32 $0xFFFFFF80, v9  }
0xad: {  	v13 =	vand.u32 $0xFFFFFF80, v11;
	[tilespmem:$0x1FE00] =	vst v2;
	v2 =	vand.u32 $0x7F, v11  }
0xae: {  	v7 =	vadd.s32 v53, v7;
	[tilespmem:$0x1FE10] =	vst v2;
	v2 =	vadd.s32 v20, v13  }
0xaf: {  	[tilespmem:$0x1FE30] =	vst v2;
	v2 =	vand.u32 $0x7F, v7  }
0xb0: {  	v11 =	vadd.s32 v62, v10;
	[tilespmem:$0x1FE40] =	vst v2;
	v2 =	vand.u32 $0xFFFFFF80, v7  }
0xb1: {  	v15 =	vand.u32 $0xFFFFFF80, v11;
	[tilespmem:$0x1FE50] =	vst v2;
	v2 =	vand.u32 $0x7F, v11  }
0xb2: {  	v13 =	vadd.s32 v53, v10;
	[tilespmem:$0x1FE60] =	vst v2;
	v2 =	vadd.s32 v33, v15  }
0xb3: {  	[tilespmem:$0x1FE80] =	vst v2;
	v2 =	vand.u32 $0x7F, v13  }
0xb4: {  	v15 =	vadd.s32 v62, v38;
	[tilespmem:$0x1FE90] =	vst v2;
	v2 =	vand.u32 $0xFFFFFF80, v13  }
0xb5: {  	v4 =	vand.u32 $0xFFFFFF80, v15;
	[tilespmem:$0x1FEA0] =	vst v2;
	v2 =	vand.u32 $0x7F, v15  }
0xb6: {  	v23 =	vadd.s32 v53, v38;
	[tilespmem:$0x1FEB0] =	vst v2;
	v2 =	vadd.s32 v51, v4  }
0xb7: {  	[tilespmem:$0x1FED0] =	vst v2;
	v2 =	vand.u32 $0x7F, v23  }
0xb8: {  	v15 =	vadd.s32 v62, v31;
	[tilespmem:$0x1FEE0] =	vst v2;
	v2 =	vand.u32 $0xFFFFFF80, v23  }
0xb9: {  	v23 =	vand.u32 $0xFFFFFF80, v15;
	[tilespmem:$0x1FEF0] =	vst v2;
	v2 =	vand.u32 $0x7F, v15  }
0xba: {  	[tilespmem:$0x1FF00] =	vst v2;
	v2 =	vadd.s32 v56, v23  }
0xbb: {  	[tilespmem:$0x1FF10] =	vst v2;
	v2 =	vld [tilespmem:$0x1FF20];
	_ =	sdelay $0x1  }
0xbc: {  	v15 =	vadd.s32 v62, v55;
	v23 =	vadd.s32 v53, v55  }
0xbd: {  	v11 =	vmovc v56;
	v56 =	vand.u32 $0xFFFFFF80, v15;
	v38 =	vand.u32 $0x7F, v15;
	v15 =	vadd.s32 v62, v60  }
0xbe: {  	[tilespmem:$0x1FE20] =	vst v20;
	v20 =	vand.u32 $0x7F, v23;
	v32 =	vand.u32 $0xFFFFFF80, v23;
	v23 =	vand.u32 $0xFFFFFF80, v15  }
0xbf: {  	[tilespmem:$0x1FC30] =	vst v42;
	v42 =	vand.u32 $0x7F, v15;
	v15 =	vadd.s32 v62, v2;
	v4 =	vadd.s32 v53, v2;
	v2 =	vld [tilespmem:$0x1FF30];
	_ =	sdelay $0x6  }
0xc0: {  	[tilespmem:$0x1FEC0] =	vst v51;
	v51 =	vadd.s32 v53, v31  }
0xc1: {  	v31 =	vand.u32 $0x7F, v51;
	v40 =	vand.u32 $0xFFFFFF80, v51;
	v51 =	vld.idx.msk [tilespmem:v2+s18+$0x0], $0xffff  }
0xc2: {  	v2 =	vld.idx.msk [tilespmem:v25+s18+$0x0], $0xffff;
	_ =	sdelay $0x4  }
0xc3: {  	[tilespmem:$0x1FF40] =	vst v2;
	v2 =	vld.idx.msk [tilespmem:v28+s18+$0x0], $0xffff;
	_ =	sdelay $0x4  }
0xc4: {  	[tilespmem:$0x1FF50] =	vst v2;
	v2 =	vadd.s32 v62, v16  }
0xc5: {  	[tilespmem:$0x1FF60] =	vst v2;
	v2 =	vld.idx.msk [tilespmem:v39+s18+$0x0], $0xffff;
	_ =	sdelay $0x4  }
0xc6: {  	[tilespmem:$0x1FF70] =	vst v2;
	v2 =	vld [tilespmem:$0x1FF80];
	_ =	sdelay $0x4  }
0xc7: {  	[tilespmem:$0x1FB80] =	vst v63;
	v2 =	vadd.s32 v62, v2  }
0xc8: {  	[tilespmem:$0x1FF90] =	vst v2;
	v2 =	vld.idx.msk [tilespmem:v26+s18+$0x0], $0xffff  }
0xc9: {  	[tilespmem:$0x1FBE0] =	vst v6  }
0xca: {  	[tilespmem:$0x1FCC0] =	vst v44;
	v35 =	vld [tilespmem:$0x1FBB0]  }
0xcb: {  	[tilespmem:$0x1FD10] =	vst v45;
	v8 =	vld [tilespmem:$0x1FDE0]  }
0xcc: {  	[tilespmem:$0x1FD70] =	vst v46;
	v44 =	vmov v36  }
0xcd: {  	v48 =	vld [tilespmem:$0x1FD30];
	[tilespmem:$0x1FFA0] =	vst v2;
	v2 =	vadd.s32 v62, v44  }
0xce: {  	[tilespmem:$0x1FFB0] =	vst v2;
	v2 =	vld.idx.msk [tilespmem:v12+s18+$0x0], $0xffff  }
0xcf: {  	v34 =	vmovc v57;
	v10 =	vadd.s32 v62, v35;
	v55 =	vadd.s32 v57, v56;
	v57 =	vadd.s32 v53, v60  }
0xd0: {  	[tilespmem:$0x1FDC0] =	vst v47;
	v9 =	vadd.s32 v62, v8;
	v23 =	vadd.s32 v59, v23;
	v63 =	vand.u32 $0x7F, v57  }
0xd1: {  	s19 =	simm.s32 $0x0;
	[tilespmem:$0x1FE70] =	vst v33;
	v47 =	vld.idx.msk [tilespmem:v24+s18+$0x0], $0xffff;
	v56 =	vand.u32 $0xFFFFFF80, v57;
	v60 =	vand.u32 $0xFFFFFF80, v15;
	v24 =	vand.u32 $0x7F, v15  }
0xd2: {  	s1 =	sand.u32 $0xFFFFFF80, s19;
	s20 =	sand.u32 $0x40, s5;
	[tilespmem:$0x1FC40] =	vst v5;
	v15 =	vadd.s32 v62, v14;
	v37 =	vand.u32 $0xFFFFFF80, v4;
	v57 =	vadd.s32 v27, v60  }
0xd3: {  	s11 =	sor.u32 s20, s1;
	v13 =	vmovc v59;
	v59 =	vmovc v27;
	v27 =	vand.u32 $0x7F, v4;
	v60 =	vand.u32 $0x7F, v15;
	[tilespmem:$0x1FFC0] =	vst v2;
	v2 =	vadd.s32 v62, v48  }
0xd4: {  	v25 =	vadd.s32 v53, v14;
	v28 =	vadd.s32 v53, v16;
	[tilespmem:$0x1FFD0] =	vst v2;
	v2 =	vor.u32 s11, v61  }
0xd5: {  	s30 =	simm.s32 $0x27;
	s1 =	simm.s32 $0x0;
	v39 =	vand.u32 $0xFFFFFF80, v15;
	v15 =	vand.u32 $0xFFFFFF80, v9;
	v26 =	vand.u32 $0xFFFFFF80, v25;
	[tilespmem:$0x1FFE0] =	vst v2  }
.LBB2_3:
0xd6: {  	v2 =	vld.idx.msk [tilespmem:v19+s18+$0x0], $0xffff;
	_ =	sdelay $0x4  }
0xd7: {  	[tilespmem:$0x1F7A0] =	vst v2;
	v2 =	vld.idx.msk [tilespmem:v21+s18+$0x0], $0xffff;
	_ =	sdelay $0x3  }
0xd8: {  	[tilespmem:$0x1F7D0] =	vst v47;
	v47 =	vld [tilespmem:$0x1FB20]  }
0xd9: {  	[tilespmem:$0x1F790] =	vst v2;
	v2 =	vld [tilespmem:$0x1FB30];
	_ =	sdelay $0x1  }
0xda: {  	v36 =	vadd.s32 v53, v48  }
0xdb: {  	v48 =	vadd.s32 v53, v44;
	v5 =	vand.u32 $0xFFFFFF80, v10;
	v12 =	vand.u32 $0x7F, v10  }
0xdc: {  	v19 =	vld.idx.msk [tilespmem:v58+s18+$0x0], $0xffff;
	v58 =	vadd.s32 v3, v8;
	v8 =	vadd.s32 v53, v8;
	v5 =	vadd.s32 v47, v5  }
0xdd: {  	v21 =	vld.idx.msk [tilespmem:v52+s18+$0x0], $0xffff;
	v52 =	vor.u32 v12, v5;
	v12 =	vand.u32 $0x7F, v9;
	v15 =	vadd.s32 v2, v15  }
0xde: {  	v53 =	vand.u32 $0xFFFFFF80, v8;
	v5 =	vld.idx.msk [tilespmem:v41+s18+$0x0], $0xffff;
	v33 =	vor.u32 v12, v15;
	v12 =	vand.u32 $0xFFFFFF80, v58  }
0xdf: {  	v53 =	vadd.s32 v2, v53;
	v41 =	vadd.s32 v2, v12;
	v2 =	vld [tilespmem:$0x1FFF0];
	_ =	sdelay $0x3  }
0xe0: {  	v10 =	vld [tilespmem:$0x1FF80]  }
0xe1: {  	v9 =	vadd.s32 v2, v35;
	v2 =	vld [tilespmem:$0x1FFF0];
	_ =	sdelay $0x1  }
0xe2: {  	[tilespmem:$0x1F780] =	vst v43;
	v43 =	vld [tilespmem:$0x1FF90]  }
0xe3: {  	v16 =	vld.idx.msk [tilespmem:v49+s18+$0x0], $0xffff  }
0xe4: {  	v49 =	vadd.s32 v3, v10;
	v12 =	vld.idx.msk [tilespmem:v18+s18+$0x0], $0xffff  }
0xe5: {  	v15 =	vand.u32 $0x7F, v58;
	v18 =	vadd.s32 v3, v35;
	v10 =	vadd.s32 v2, v10;
	v2 =	vld [tilespmem:$0x1FB40]  }
0xe6: {  	v58 =	vor.u32 v15, v41;
	v15 =	vld.idx.msk [tilespmem:v50+s18+$0x0], $0xffff;
	v50 =	vand.u32 $0x7F, v18;
	v18 =	vand.u32 $0xFFFFFF80, v18  }
0xe7: {  	v44 =	vand.u32 $0xFFFFFF80, v43;
	v41 =	vand.u32 $0x7F, v49;
	v18 =	vadd.s32 v47, v18  }
0xe8: {  	v0 =	vld.idx.msk [tilespmem:v0+s18+$0x0], $0xffff;
	v18 =	vor.u32 v50, v18;
	v35 =	vand.u32 $0x7F, v9;
	v9 =	vand.u32 $0xFFFFFF80, v9  }
0xe9: {  	[tilespmem:$0x1F7C0] =	vst v51;
	v51 =	vld [tilespmem:$0x1FFD0];
	v9 =	vadd.s32 v47, v9;
	v47 =	vand.u32 $0xFFFFFF80, v49;
	v49 =	vand.u32 $0xFFFFFF80, v10  }
0xea: {  	v50 =	vadd.s32 v2, v47;
	v47 =	vadd.s32 v2, v49;
	v44 =	vadd.s32 v2, v44;
	v2 =	vld [tilespmem:$0x1FB60];
	_ =	sdelay $0x3  }
0xeb: {  	v7 =	vld [tilespmem:$0x1FF60];
	[tilespmem:$0x1F7B0] =	vst v0;
	v0 =	vand.u32 $0xFFFFFF80, v36;
	v4 =	vand.u32 $0xFFFFFF80, v51  }
0xec: {  	v0 =	vadd.s32 v2, v0;
	v4 =	vadd.s32 v2, v4;
	v2 =	vld [tilespmem:$0x1FB80]  }
0xed: {  	v14 =	vld [tilespmem:$0x1FFB0]  }
0xee: {  	v9 =	vor.u32 v35, v9;
	v35 =	vld.idx.msk [tilespmem:v52+s17+$0x0], $0xffff  }
0xef: {  	v45 =	vand.u32 $0xFFFFFF80, v28;
	v52 =	vld.idx.msk [tilespmem:v58+s18+$0x0], $0xffff;
	v58 =	vand.u32 $0x7F, v43  }
0xf0: {  	v46 =	vand.u32 $0xFFFFFF80, v7;
	v41 =	vor.u32 v41, v50;
	v44 =	vor.u32 v58, v44  }
0xf1: {  	v50 =	vand.u32 $0x7F, v51;
	v51 =	vadd.s32 v2, v45;
	v58 =	vadd.s32 v2, v46;
	v2 =	vld [tilespmem:$0x1FBA0]  }
0xf2: {  	v22 =	vld.idx.msk [tilespmem:v22+s18+$0x0], $0xffff;
	v6 =	vand.u32 $0xFFFFFF80, v14;
	v8 =	vand.u32 $0x7F, v8  }
0xf3: {  	v6 =	vadd.s32 v29, v6;
	v8 =	vor.u32 v8, v53;
	v53 =	vld.idx.msk [tilespmem:v54+s18+$0x0], $0xffff;
	v10 =	vand.u32 $0x7F, v10  }
0xf4: {  	v54 =	vand.u32 $0x7F, v7;
	v7 =	vld [tilespmem:$0x1FF10];
	v10 =	vor.u32 v10, v47;
	v47 =	vand.u32 $0x7F, v14  }
0xf5: {  	v33 =	vld.idx.msk [tilespmem:v33+s18+$0x0], $0xffff;
	v6 =	vor.u32 v47, v6  }
0xf6: {  	v25 =	vand.u32 $0x7F, v25;
	v18 =	vld.idx.msk [tilespmem:v18+s17+$0x0], $0xffff;
	v4 =	vor.u32 v50, v4;
	v26 =	vadd.s32 v2, v26  }
0xf7: {  	v25 =	vor.u32 v25, v26;
	v26 =	vadd.s32 v2, v39;
	v2 =	vld [tilespmem:$0x1FF00]  }
0xf8: {  	v44 =	vld.idx.msk [tilespmem:v44+s18+$0x0], $0xffff  }
0xf9: {  	v41 =	vld.idx.msk [tilespmem:v41+s18+$0x0], $0xffff  }
0xfa: {  	v36 =	vand.u32 $0x7F, v36;
	v6 =	vld.idx.msk [tilespmem:v6+s18+$0x0], $0xffff  }
0xfb: {  	v33 =	vadd.f32 v33, v35;
	v0 =	vor.u32 v36, v0;
	v36 =	vor.u32 v54, v58;
	v4 =	vld.idx.msk [tilespmem:v4+s18+$0x0], $0xffff  }
0xfc: {  	v24 =	vor.u32 v24, v57;
	v18 =	vadd.f32 v52, v18;
	v14 =	vor.u32 v2, v7;
	v2 =	vld [tilespmem:$0x1FEC0]  }
0xfd: {  	v33 =	vadd.f32 v44, v33;
	v7 =	vld [tilespmem:$0x1FEF0]  }
0xfe: {  	v18 =	vadd.f32 v41, v18  }
0xff: {  	v8 =	vld.idx.msk [tilespmem:v8+s18+$0x0], $0xffff;
	v6 =	vadd.f32 v6, v33  }
0x100: {  	v23 =	vor.u32 v42, v23;
	v18 =	vadd.f32 v22, v18;
	v22 =	vld.idx.msk [tilespmem:v36+s18+$0x0], $0xffff  }
0x101: {  	v4 =	vadd.f32 v4, v6;
	v6 =	vld.idx.msk [tilespmem:v24+s18+$0x0], $0xffff  }
0x102: {  	v24 =	vadd.s32 v2, v7;
	v2 =	vld [tilespmem:$0x1FEE0]  }
0x103: {  	v9 =	vld.idx.msk [tilespmem:v9+s17+$0x0], $0xffff  }
0x104: {  	v10 =	vld.idx.msk [tilespmem:v10+s18+$0x0], $0xffff  }
0x105: {  	v28 =	vand.u32 $0x7F, v28;
	v4 =	vadd.f32 v22, v4;
	v22 =	vld.idx.msk [tilespmem:v23+s18+$0x0], $0xffff  }
0x106: {  	v28 =	vor.u32 v28, v51;
	v7 =	vld [tilespmem:$0x1FED0]  }
0x107: {  	v30 =	vand.u32 $0xFFFFFF80, v48;
	v23 =	vor.u32 v2, v24;
	v2 =	vld [tilespmem:$0x1FEB0]  }
0x108: {  	v48 =	vand.u32 $0x7F, v48;
	v30 =	vadd.s32 v29, v30  }
0x109: {  	v30 =	vor.u32 v48, v30;
	v8 =	vadd.f32 v8, v9;
	_ =	sdelay $0x1  }
0x10a: {  	v8 =	vadd.f32 v10, v8;
	v10 =	vld.idx.msk [tilespmem:v28+s18+$0x0], $0xffff  }
0x10b: {  	v28 =	vadd.s32 v13, v56;
	v13 =	vor.u32 v2, v7;
	v2 =	vld [tilespmem:$0x1FE70]  }
0x10c: {  	v7 =	vld [tilespmem:$0x1FEA0]  }
0x10d: {  	v30 =	vld.idx.msk [tilespmem:v30+s18+$0x0], $0xffff  }
0x10e: {  	v1 =	vld.idx.msk [tilespmem:v1+s18+$0x0], $0xffff;
	v9 =	vor.u32 v60, v26;
	v26 =	vadd.s32 v59, v37  }
0x10f: {  	v0 =	vld.idx.msk [tilespmem:v0+s18+$0x0], $0xffff;
	v26 =	vor.u32 v27, v26  }
0x110: {  	v17 =	vld.idx.msk [tilespmem:v17+s18+$0x0], $0xffff  }
0x111: {  	v24 =	vadd.s32 v2, v7;
	v2 =	vld [tilespmem:$0x1FE90]  }
0x112: {  	v8 =	vadd.f32 v30, v8;
	_ =	sdelay $0x1  }
0x113: {  	v1 =	vadd.f32 v1, v18;
	v0 =	vadd.f32 v0, v8;
	v8 =	vld.idx.msk [tilespmem:v26+s18+$0x0], $0xffff  }
0x114: {  	v26 =	vadd.s32 v11, v40;
	v11 =	vld [tilespmem:$0x1FE80]  }
0x115: {  	v1 =	vadd.f32 v17, v1;
	v7 =	vor.u32 v2, v24;
	v2 =	vld [tilespmem:$0x1FE60];
	_ =	sdelay $0x1  }
0x116: {  	v1 =	vadd.f32 v53, v1;
	_ =	sdelay $0x1  }
0x117: {  	v1 =	vadd.f32 v15, v1;
	v15 =	vld [tilespmem:$0x1FE50]  }
0x118: {  	v11 =	vor.u32 v2, v11;
	v2 =	vld [tilespmem:$0x1FE20]  }
0x119: {  	v9 =	vld.idx.msk [tilespmem:v9+s18+$0x0], $0xffff;
	_ =	sdelay $0x3  }
0x11a: {  	v15 =	vadd.s32 v2, v15;
	v2 =	vld [tilespmem:$0x1FE40]  }
0x11b: {  	v4 =	vadd.f32 v9, v4;
	_ =	sdelay $0x1  }
0x11c: {  	v4 =	vadd.f32 v6, v4;
	v6 =	vld.idx.msk [tilespmem:v14+s18+$0x0], $0xffff  }
0x11d: {  	v14 =	vld [tilespmem:$0x1FE30]  }
0x11e: {  	v1 =	vadd.f32 v12, v1;
	v12 =	vor.u32 v2, v15;
	v2 =	vld [tilespmem:$0x1FE10];
	_ =	sdelay $0x3  }
0x11f: {  	v15 =	vld [tilespmem:$0x1FE00]  }
0x120: {  	v14 =	vor.u32 v2, v14;
	v2 =	vld [tilespmem:$0x1FDC0];
	_ =	sdelay $0x4  }
0x121: {  	v15 =	vadd.s32 v2, v15;
	v2 =	vld [tilespmem:$0x1FDF0]  }
0x122: {  	v25 =	vld.idx.msk [tilespmem:v25+s18+$0x0], $0xffff  }
0x123: {  	v28 =	vor.u32 v63, v28  }
0x124: {  	v17 =	vor.u32 v31, v26  }
0x125: {  	v0 =	vadd.f32 v10, v0;
	v1 =	vadd.f32 v16, v1;
	v16 =	vld [tilespmem:$0x1FDD0]  }
0x126: {  	v30 =	vadd.s32 v34, v32;
	v15 =	vor.u32 v2, v15;
	v2 =	vld [tilespmem:$0x1FDB0]  }
0x127: {  	v18 =	vor.u32 v20, v30;
	v0 =	vadd.f32 v25, v0  }
0x128: {  	v20 =	vor.u32 v38, v55;
	v10 =	vld.idx.msk [tilespmem:v28+s18+$0x0], $0xffff  }
0x129: {  	v0 =	vadd.f32 v8, v0;
	v8 =	vld.idx.msk [tilespmem:v17+s18+$0x0], $0xffff  }
0x12a: {  	v17 =	vld [tilespmem:$0x1FDA0]  }
0x12b: {  	v16 =	vor.u32 v2, v16;
	v2 =	vld [tilespmem:$0x1FD70]  }
0x12c: {  	v18 =	vld.idx.msk [tilespmem:v18+s18+$0x0], $0xffff  }
0x12d: {  	v9 =	vld.idx.msk [tilespmem:v20+s18+$0x0], $0xffff;
	_ =	sdelay $0x1  }
0x12e: {  	v0 =	vadd.f32 v10, v0  }
0x12f: {  	v4 =	vadd.f32 v22, v4;
	v17 =	vadd.s32 v2, v17;
	v2 =	vld [tilespmem:$0x1FD90]  }
0x130: {  	v0 =	vadd.f32 v18, v0  }
0x131: {  	v4 =	vadd.f32 v9, v4;
	v9 =	vld.idx.msk [tilespmem:v11+s18+$0x0], $0xffff  }
0x132: {  	v0 =	vadd.f32 v8, v0;
	v8 =	vld.idx.msk [tilespmem:v12+s18+$0x0], $0xffff  }
0x133: {  	v12 =	vld [tilespmem:$0x1FD80]  }
0x134: {  	v11 =	vor.u32 v2, v17;
	v2 =	vld [tilespmem:$0x1FD60];
	_ =	sdelay $0x3  }
0x135: {  	v17 =	vld [tilespmem:$0x1FD50]  }
0x136: {  	v12 =	vor.u32 v2, v12;
	v2 =	vld [tilespmem:$0x1FD10];
	_ =	sdelay $0x4  }
0x137: {  	v17 =	vadd.s32 v2, v17;
	v2 =	vld [tilespmem:$0x1FD40];
	_ =	sdelay $0x1  }
0x138: {  	v10 =	vld.idx.msk [tilespmem:v23+s18+$0x0], $0xffff  }
0x139: {  	v1 =	vadd.f32 v5, v1;
	v5 =	vld.idx.msk [tilespmem:v14+s18+$0x0], $0xffff  }
0x13a: {  	v14 =	vld [tilespmem:$0x1FD20]  }
0x13b: {  	v4 =	vadd.f32 v6, v4;
	v6 =	vor.u32 v2, v17;
	v2 =	vld [tilespmem:$0x1FD00];
	_ =	sdelay $0x2  }
0x13c: {  	v0 =	vadd.f32 v10, v0;
	v10 =	vld.idx.msk [tilespmem:v15+s18+$0x0], $0xffff  }
0x13d: {  	v15 =	vld [tilespmem:$0x1FCF0]  }
0x13e: {  	v14 =	vor.u32 v2, v14;
	v2 =	vld [tilespmem:$0x1FCC0];
	_ =	sdelay $0x2  }
0x13f: {  	v7 =	vld.idx.msk [tilespmem:v7+s18+$0x0], $0xffff;
	_ =	sdelay $0x1  }
0x140: {  	v15 =	vadd.s32 v2, v15;
	v2 =	vld [tilespmem:$0x1FCE0];
	_ =	sdelay $0x1  }
0x141: {  	v13 =	vld.idx.msk [tilespmem:v13+s18+$0x0], $0xffff  }
0x142: {  	v0 =	vadd.f32 v7, v0;
	v7 =	vld.idx.msk [tilespmem:v11+s18+$0x0], $0xffff  }
0x143: {  	v11 =	vld [tilespmem:$0x1FCD0]  }
0x144: {  	v15 =	vor.u32 v2, v15;
	v2 =	vld [tilespmem:$0x1FCB0];
	_ =	sdelay $0x2  }
0x145: {  	v4 =	vadd.f32 v13, v4;
	v13 =	vld.idx.msk [tilespmem:v16+s18+$0x0], $0xffff  }
0x146: {  	v16 =	vld [tilespmem:$0x1F780]  }
0x147: {  	v11 =	vor.u32 v2, v11;
	v2 =	vld [tilespmem:$0x1FC80];
	_ =	sdelay $0x4  }
0x148: {  	v16 =	vadd.s32 v2, v16;
	v2 =	vld [tilespmem:$0x1F790]  }
0x149: {  	v1 =	vadd.f32 v19, v1;
	_ =	sdelay $0x1  }
0x14a: {  	v1 =	vadd.f32 v21, v1;
	_ =	sdelay $0x1  }
0x14b: {  	v1 =	vadd.f32 v2, v1;
	v2 =	vld [tilespmem:$0x1FCA0];
	_ =	sdelay $0x2  }
0x14c: {  	v0 =	vadd.f32 v8, v0;
	v8 =	vld [tilespmem:$0x1FC90]  }
0x14d: {  	v4 =	vadd.f32 v9, v4;
	v9 =	vld.idx.msk [tilespmem:v12+s18+$0x0], $0xffff  }
0x14e: {  	v12 =	vor.u32 v2, v16;
	v2 =	vld [tilespmem:$0x1FC70];
	_ =	sdelay $0x3  }
0x14f: {  	v16 =	vld [tilespmem:$0x1FC60]  }
0x150: {  	v8 =	vor.u32 v2, v8;
	v2 =	vld [tilespmem:$0x1FC30];
	_ =	sdelay $0x4  }
0x151: {  	v16 =	vadd.s32 v2, v16;
	v2 =	vld [tilespmem:$0x1F7A0];
	_ =	sdelay $0x4  }
0x152: {  	v1 =	vadd.f32 v2, v1;
	v2 =	vld [tilespmem:$0x1FC50];
	_ =	sdelay $0x1  }
0x153: {  	v4 =	vadd.f32 v5, v4;
	v5 =	vld.idx.msk [tilespmem:v14+s18+$0x0], $0xffff  }
0x154: {  	v0 =	vadd.f32 v10, v0;
	v10 =	vld.idx.msk [tilespmem:v15+s18+$0x0], $0xffff  }
0x155: {  	v15 =	vld [tilespmem:$0x1FC40]  }
0x156: {  	v14 =	vor.u32 v2, v16;
	v2 =	vld [tilespmem:$0x1FC20];
	_ =	sdelay $0x3  }
0x157: {  	v16 =	vld [tilespmem:$0x1FC10]  }
0x158: {  	v15 =	vor.u32 v2, v15;
	v2 =	vld [tilespmem:$0x1FBE0];
	_ =	sdelay $0x4  }
0x159: {  	v16 =	vadd.s32 v2, v16;
	v2 =	vld [tilespmem:$0x1F7B0];
	_ =	sdelay $0x4  }
0x15a: {  	v1 =	vadd.f32 v2, v1;
	v2 =	vld [tilespmem:$0x1FC00];
	_ =	sdelay $0x3  }
0x15b: {  	v0 =	vadd.f32 v7, v0;
	v7 =	vld [tilespmem:$0x1FF40]  }
0x15c: {  	v4 =	vadd.f32 v13, v4;
	v13 =	vor.u32 v2, v16;
	v2 =	vld [tilespmem:$0x1FBC0];
	_ =	sdelay $0x2  }
0x15d: {  	v6 =	vld.idx.msk [tilespmem:v6+s18+$0x0], $0xffff  }
0x15e: {  	v16 =	vld [tilespmem:$0x1FBF0]  }
0x15f: {  	v7 =	vadd.f32 v7, v2;
	v2 =	vld [tilespmem:$0x1FBD0];
	_ =	sdelay $0x2  }
0x160: {  	v6 =	vadd.f32 v6, v0;
	v0 =	vld [tilespmem:$0x1F7C0];
	_ =	sdelay $0x1  }
0x161: {  	v16 =	vor.u32 v2, v16;
	v2 =	vld [tilespmem:$0x1FFC0];
	_ =	sdelay $0x2  }
0x162: {  	v17 =	vadd.f32 v0, v7;
	v0 =	vld [tilespmem:$0x1FFA0];
	_ =	sdelay $0x1  }
0x163: {  	v1 =	vadd.f32 v2, v1;
	v2 =	vld [tilespmem:$0x1FF70];
	_ =	sdelay $0x2  }
0x164: {  	v1 =	vadd.f32 v0, v1;
	_ =	sdelay $0x1  }
0x165: {  	v1 =	vadd.f32 v2, v1;
	v2 =	vld [tilespmem:$0x1FFE0]  }
0x166: {  	v11 =	vld.idx.msk [tilespmem:v11+s18+$0x0], $0xffff  }
0x167: {  	v12 =	vld.idx.msk [tilespmem:v12+s18+$0x0], $0xffff  }
0x168: {  	v4 =	vadd.f32 v9, v4;
	v8 =	vld.idx.msk [tilespmem:v8+s18+$0x0], $0xffff  }
0x169: {  	v14 =	vld.idx.msk [tilespmem:v14+s18+$0x0], $0xffff  }
0x16a: {  	v4 =	vadd.f32 v5, v4;
	v15 =	vld.idx.msk [tilespmem:v15+s18+$0x0], $0xffff  }
0x16b: {  	v13 =	vld.idx.msk [tilespmem:v13+s18+$0x0], $0xffff  }
0x16c: {  	v4 =	vadd.f32 v11, v4;
	v11 =	vld.idx.msk [tilespmem:v16+s18+$0x0], $0xffff  }
0x16d: {  	[tilespmem:v2+s29+$0x0] =	vst.idx.msk $0xffff, v17;
	v2 =	vld [tilespmem:$0x1FF50];
	_ =	sdelay $0x1  }
0x16e: {  	s20 =	sadd.s32 $0xFFFFFFEE, s30  }
0x16f: {  	v25 =	vmov s20  }
0x170: {  	s16 =	sadd.s32 $0xFFFFFFFF, s30;
	v56 =	vshll.u32 v25, $0x7;
	v21 =	vmov s30;
	v4 =	vadd.f32 v8, v4  }
0x171: {  	s19 =	sadd.s32 $0xFFFFFFFD, s30;
	s20 =	sadd.s32 $0xFFFFFFED, s30;
	v51 =	vshll.u32 v21, $0x7;
	v5 =	vmov s16;
	v1 =	vadd.f32 v2, v1;
	v2 =	vld [tilespmem:$0x1FFF0]  }
0x172: {  	[tilespmem:$0x1FB40] =	vst v56;
	v15 =	vadd.f32 v15, v4;
	v4 =	vmov s20;
	v7 =	vmov s19;
	s19 =	sadd.s32 $0xFFFFFFFB, s30  }
0x173: {  	s16 =	sadd.s32 $0xFFFFFFFC, s30;
	v10 =	vadd.f32 v10, v6;
	[tilespmem:$0x1FBE0] =	vst v51;
	v57 =	vshll.u32 v4, $0x7;
	v20 =	vmov s19  }
0x174: {  	v6 =	vmov s16;
	[tilespmem:$0x1FB30] =	vst v57;
	v22 =	vshll.u32 v20, $0x7  }
0x175: {  	s2 =	sadd.s32 $0xFFFFFFFE, s30;
	v10 =	vadd.f32 v12, v10;
	[tilespmem:$0x1FD70] =	vst v22;
	v22 =	vshll.u32 v6, $0x7  }
0x176: {  	[tilespmem:$0x1FD10] =	vst v22;
	v22 =	vshll.u32 v7, $0x7;
	v0 =	vmov s2;
	v8 =	vor.u32 s11, v2;
	v2 =	vld [tilespmem:$0x1F7D0]  }
0x177: {  	v12 =	vor.u32 s11, v3;
	v10 =	vadd.f32 v14, v10;
	s19 =	sadd.s32 $0xFFFFFFF8, s30;
	[tilespmem:$0x1FCC0] =	vst v22;
	v16 =	vshll.u32 v0, $0x7  }
0x178: {  	v14 =	vor.u32 s11, v62;
	[tilespmem:$0x1FC80] =	vst v16;
	v16 =	vshll.u32 v5, $0x7;
	v17 =	vmov s19;
	s11 =	sadd.s32 $0xFFFFFFF9, s30  }
0x179: {  	s16 =	sadd.s32 $0xFFFFFFFA, s30;
	[tilespmem:$0x1FC30] =	vst v16;
	v22 =	vshll.u32 v17, $0x7;
	v18 =	vmov s11  }
0x17a: {  	v19 =	vmov s16;
	[tilespmem:$0x1FE70] =	vst v22;
	v22 =	vshll.u32 v18, $0x7  }
0x17b: {  	[tilespmem:$0x1FE20] =	vst v22;
	v22 =	vshll.u32 v19, $0x7;
	v1 =	vadd.f32 v2, v1  }
0x17c: {  	s5 =	sadd.s32 $0x1, s5;
	v10 =	vadd.f32 v13, v10;
	[tilespmem:$0x1FDC0] =	vst v22  }
0x17d: {  	v9 =	vmov s5;
	s20 =	sadd.s32 $0xFFFFFFEF, s30;
	v11 =	vadd.f32 v11, v15;
	[tilespmem:v12+s29+$0x0] =	vst.idx.msk $0xffff, v1  }
0x17e: {  	v1 =	vmov s20;
	s20 =	sadd.s32 $0xFFFFFFF5, s30;
	[tilespmem:v8+s29+$0x0] =	vst.idx.msk $0xffff, v10  }
0x17f: {  	s16 =	sadd.s32 $0xFFFFFFF7, s30;
	s11 =	sadd.s32 $0xFFFFFFF6, s30;
	v15 =	vmov s20;
	v60 =	vshll.u32 v1, $0x7;
	[tilespmem:v14+s29+$0x0] =	vst.idx.msk $0xffff, v11  }
0x180: {  	v13 =	vmov s16;
	v12 =	vmov s11;
	s11 =	sadd.s32 $0xFFFFFFF3, s30;
	v22 =	vshll.u32 v15, $0x7;
	[tilespmem:$0x1F9A0] =	vst v60  }
0x181: {  	v14 =	vmov s11;
	v2 =	vld.idx.msk [tilespmem:v25+s15+$0x0], $0xffff;
	[tilespmem:$0x1F800] =	vst v22;
	v22 =	vshll.u32 v12, $0x7  }
0x182: {  	s19 =	sadd.s32 $0xFFFFFFF4, s30;
	v23 =	vld.idx.msk [tilespmem:v9+s14+$0x0], $0xffff;
	v26 =	vshll.u32 v14, $0x7;
	[tilespmem:$0x1F810] =	vst v22  }
0x183: {  	v10 =	vmov s19;
	v16 =	vld.idx.msk [tilespmem:v4+s15+$0x0], $0xffff;
	v22 =	vshll.u32 v13, $0x7;
	[tilespmem:$0x1F7E0] =	vst v26  }
0x184: {  	s2 =	sadd.s32 $0xFFFFFFF0, s30;
	v26 =	vshll.u32 v10, $0x7;
	[tilespmem:$0x1FEC0] =	vst v22  }
0x185: {  	v8 =	vmov s2;
	v13 =	vld.idx.msk [tilespmem:v13+s15+$0x0], $0xffff;
	[tilespmem:$0x1F7F0] =	vst v26  }
0x186: {  	v28 =	vld.idx.msk [tilespmem:v6+s15+$0x0], $0xffff;
	[tilespmem:$0x1FF80] =	vst v2  }
0x187: {  	s16 =	sadd.s32 $0xFFFFFFF1, s30;
	v12 =	vld.idx.msk [tilespmem:v12+s15+$0x0], $0xffff;
	[tilespmem:$0x1FBB0] =	vst v23  }
0x188: {  	v11 =	vmov s16;
	v35 =	vld.idx.msk [tilespmem:v0+s15+$0x0], $0xffff;
	v26 =	vadd.s32 v62, v2;
	[tilespmem:$0x1FDE0] =	vst v16  }
0x189: {  	v37 =	vld.idx.msk [tilespmem:v5+s15+$0x0], $0xffff;
	v46 =	vadd.s32 v61, v2;
	v2 =	vmov v23;
	[tilespmem:$0x1FF90] =	vst v26  }
0x18a: {  	v24 =	vld.idx.msk [tilespmem:v8+s15+$0x0], $0xffff;
	v2 =	vadd.s32 v62, v2;
	[tilespmem:$0x1FA10] =	vst v13  }
0x18b: {  	v10 =	vld.idx.msk [tilespmem:v10+s15+$0x0], $0xffff;
	[tilespmem:$0x1F990] =	vst v2  }
0x18c: {  	s16 =	sadd.s32 $0xFFFFFFF2, s30;
	v53 =	vld.idx.msk [tilespmem:v1+s15+$0x0], $0xffff;
	v6 =	vadd.s32 v62, v13;
	[tilespmem:$0x1FA30] =	vst v12  }
0x18d: {  	v42 =	vshll.u32 v9, $0x7;
	v9 =	vmov s16;
	v22 =	vld.idx.msk [tilespmem:v11+s15+$0x0], $0xffff;
	v2 =	vadd.s32 v62, v16;
	[tilespmem:$0x1FA20] =	vst v6  }
0x18e: {  	v63 =	vshll.u32 v11, $0x7;
	v11 =	vld.idx.msk [tilespmem:v14+s15+$0x0], $0xffff;
	[tilespmem:$0x1FA70] =	vst v2  }
0x18f: {  	v14 =	vld.idx.msk [tilespmem:v15+s15+$0x0], $0xffff;
	[tilespmem:$0x1FD30] =	vst v24  }
0x190: {  	v15 =	vld.idx.msk [tilespmem:v17+s15+$0x0], $0xffff;
	v1 =	vand.u32 $0xFFFFFF80, v2;
	[tilespmem:$0x1FA90] =	vst v10  }
0x191: {  	v2 =	vadd.s32 v3, v53;
	[tilespmem:$0x1FAE0] =	vst v1  }
0x192: {  	v45 =	vshll.u32 v9, $0x7;
	v9 =	vld.idx.msk [tilespmem:v9+s15+$0x0], $0xffff;
	[tilespmem:$0x1F970] =	vst v2  }
0x193: {  	v23 =	vadd.s32 v61, v23;
	v58 =	vadd.s32 v61, v16;
	v29 =	vadd.s32 v3, v35;
	[tilespmem:$0x1FB10] =	vst v22  }
0x194: {  	v44 =	vadd.s32 v3, v37;
	v26 =	vshll.u32 v8, $0x7;
	v27 =	vadd.s32 v61, v13;
	[tilespmem:$0x1FAC0] =	vst v11  }
0x195: {  	v55 =	vadd.s32 v3, v13;
	v31 =	vand.u32 $0xFFFFFF80, v23;
	v1 =	vadd.s32 v62, v53;
	[tilespmem:$0x1F9F0] =	vst v15  }
0x196: {  	v48 =	vadd.s32 v61, v53;
	v54 =	vadd.s32 v61, v12;
	v52 =	vadd.s32 v3, v12;
	[tilespmem:$0x1FFB0] =	vst v1  }
0x197: {  	v31 =	vadd.s32 v42, v31;
	v39 =	vadd.s32 v3, v24;
	v6 =	vadd.s32 v62, v15;
	[tilespmem:$0x1FAF0] =	vst v9  }
0x198: {  	v59 =	vadd.s32 v61, v10;
	v36 =	vadd.s32 v61, v22;
	v1 =	vand.u32 $0x7F, v2;
	[tilespmem:$0x1FA00] =	vst v6  }
0x199: {  	v16 =	vadd.s32 v3, v22;
	v2 =	vadd.s32 v62, v22;
	v8 =	vadd.s32 v62, v9;
	[tilespmem:$0x1F9C0] =	vst v1  }
0x19a: {  	v41 =	vadd.s32 v61, v9;
	v17 =	vadd.s32 v3, v9;
	v9 =	vld.idx.msk [tilespmem:v18+s15+$0x0], $0xffff;
	[tilespmem:$0x1FF60] =	vst v2  }
0x19b: {  	v33 =	vadd.s32 v61, v11;
	v49 =	vadd.s32 v3, v14;
	v1 =	vadd.s32 v62, v24;
	[tilespmem:$0x1FB00] =	vst v8  }
0x19c: {  	v34 =	vadd.s32 v61, v15;
	v8 =	vadd.s32 v62, v11;
	v2 =	vld.idx.msk [tilespmem:v19+s15+$0x0], $0xffff;
	[tilespmem:$0x1FFD0] =	vst v1  }
0x19d: {  	v19 =	vadd.s32 v3, v10;
	[tilespmem:$0x1FAD0] =	vst v8;
	v8 =	vadd.s32 v62, v10;
	v10 =	vld.idx.msk [tilespmem:v20+s15+$0x0], $0xffff  }
0x19e: {  	v0 =	vadd.s32 v3, v15;
	v18 =	vadd.s32 v3, v11;
	[tilespmem:$0x1FAA0] =	vst v8;
	v8 =	vadd.s32 v62, v14  }
0x19f: {  	v22 =	vld.idx.msk [tilespmem:v7+s15+$0x0], $0xffff;
	v7 =	vadd.s32 v61, v35;
	[tilespmem:$0x1FA60] =	vst v8;
	v6 =	vadd.s32 v62, v9  }
0x1a0: {  	v11 =	vadd.s32 v61, v14;
	v1 =	vadd.s32 v61, v24;
	v24 =	vld.idx.msk [tilespmem:v21+s15+$0x0], $0xffff;
	[tilespmem:$0x1F9E0] =	vst v6  }
0x1a1: {  	v20 =	vadd.s32 v61, v37;
	v8 =	vadd.s32 v62, v12;
	[tilespmem:$0x1F9B0] =	vst v2;
	v5 =	vadd.s32 v62, v2  }
0x1a2: {  	v43 =	vadd.s32 v61, v2;
	v47 =	vadd.s32 v3, v2;
	[tilespmem:$0x1F980] =	vst v5;
	v2 =	vadd.s32 v62, v10  }
0x1a3: {  	v12 =	vadd.s32 v3, v28;
	v40 =	vadd.s32 v61, v9;
	[tilespmem:$0x1F960] =	vst v2;
	v2 =	vadd.s32 v62, v28  }
0x1a4: {  	v38 =	vadd.s32 v3, v9;
	v21 =	vadd.s32 v3, v22;
	[tilespmem:$0x1F950] =	vst v2;
	v2 =	vadd.s32 v62, v22  }
0x1a5: {  	v6 =	vadd.s32 v61, v28;
	v15 =	vadd.s32 v61, v10;
	[tilespmem:$0x1F940] =	vst v2;
	v2 =	vadd.s32 v62, v35  }
0x1a6: {  	s1 =	sadd.s32 $0x40, s1;
	s19 =	sshll.u32 s5, $0x6;
	v50 =	vadd.s32 v3, v10;
	v5 =	vadd.s32 v61, v22;
	[tilespmem:$0x1F930] =	vst v2;
	v2 =	vadd.s32 v62, v37  }
0x1a7: {  	s20 =	sand.u32 $0x40, s1;
	s2 =	sand.u32 $0xFFFFFF80, s19;
	v25 =	vadd.s32 v61, v24;
	v30 =	vadd.s32 v3, v24;
	[tilespmem:$0x1F920] =	vst v2;
	v2 =	vadd.s32 v62, v24  }
0x1a8: {  	s11 =	sor.u32 s20, s2;
	v4 =	vand.u32 $0xFFFFFF80, v25;
	[tilespmem:$0x1F910] =	vst v2;
	v2 =	vand.u32 $0x7F, v25;
	v25 =	vand.u32 $0xFFFFFF80, v30  }
0x1a9: {  	[tilespmem:$0x1F820] =	vst v2;
	v2 =	vor.u32 s11, v61;
	v61 =	vand.u32 $0x7F, v23;
	v25 =	vadd.s32 v51, v25  }
0x1aa: {  	[tilespmem:$0x1FFE0] =	vst v2;
	v2 =	vand.u32 $0x7F, v30;
	v30 =	vand.u32 $0xFFFFFF80, v7;
	v31 =	vor.u32 v61, v31  }
0x1ab: {  	v61 =	vand.u32 $0x7F, v58;
	[tilespmem:$0x1F840] =	vst v2;
	v2 =	vadd.s32 v51, v4;
	v51 =	vand.u32 $0xFFFFFF80, v58  }
0x1ac: {  	v58 =	vand.u32 $0xFFFFFF80, v48;
	v48 =	vand.u32 $0x7F, v48;
	[tilespmem:$0x1F830] =	vst v2;
	v2 =	vand.u32 $0x7F, v20  }
0x1ad: {  	v4 =	vand.u32 $0x7F, v40;
	v40 =	vand.u32 $0xFFFFFF80, v40;
	[tilespmem:$0x1F890] =	vst v2;
	v2 =	vand.u32 $0x7F, v44  }
0x1ae: {  	v51 =	vadd.s32 v57, v51;
	v57 =	vand.u32 $0xFFFFFF80, v46;
	[tilespmem:$0x1F8A0] =	vst v2;
	v2 =	vand.u32 $0x7F, v7  }
0x1af: {  	v46 =	vand.u32 $0x7F, v46;
	v32 =	vor.u32 v61, v51;
	[tilespmem:$0x1F880] =	vst v2;
	v2 =	vand.u32 $0xFFFFFF80, v44  }
0x1b0: {  	v51 =	vadd.s32 v56, v57;
	v61 =	vand.u32 $0xFFFFFF80, v33;
	[tilespmem:$0x1F850] =	vst v2;
	v2 =	vand.u32 $0xFFFFFF80, v29  }
0x1b1: {  	v51 =	vor.u32 v46, v51;
	v46 =	vadd.s32 v60, v58;
	[tilespmem:$0x1F860] =	vst v2;
	v2 =	vand.u32 $0x7F, v29  }
0x1b2: {  	v60 =	vand.u32 $0xFFFFFF80, v1;
	v1 =	vand.u32 $0x7F, v1;
	[tilespmem:$0x1F8C0] =	vst v2;
	v2 =	vand.u32 $0x7F, v5  }
0x1b3: {  	v13 =	vld [tilespmem:$0x1FEC0];
	v46 =	vor.u32 v48, v46;
	v57 =	vadd.s32 v26, v60;
	[tilespmem:$0x1F870] =	vst v2;
	v2 =	vand.u32 $0x7F, v21  }
0x1b4: {  	v31 =	vld.idx.msk [tilespmem:v31+s17+$0x0], $0xffff;
	v57 =	vor.u32 v1, v57;
	v1 =	vand.u32 $0xFFFFFF80, v36;
	[tilespmem:$0x1F8B0] =	vst v2;
	v2 =	vand.u32 $0x7F, v12  }
0x1b5: {  	v36 =	vand.u32 $0x7F, v36;
	v1 =	vadd.s32 v63, v1;
	v32 =	vld.idx.msk [tilespmem:v32+s18+$0x0], $0xffff;
	[tilespmem:$0x1F8F0] =	vst v2;
	v2 =	vand.u32 $0x7F, v50  }
0x1b6: {  	v33 =	vand.u32 $0x7F, v33;
	v36 =	vor.u32 v36, v1;
	v1 =	vld [tilespmem:$0x1F7E0];
	[tilespmem:$0x1F8E0] =	vst v2;
	v2 =	vand.u32 $0x7F, v47  }
0x1b7: {  	v7 =	vand.u32 $0x7F, v15;
	v58 =	vand.u32 $0x7F, v0;
	v51 =	vld.idx.msk [tilespmem:v51+s18+$0x0], $0xffff;
	[tilespmem:$0x1F8D0] =	vst v2;
	v2 =	vand.u32 $0x7F, v38  }
0x1b8: {  	v56 =	vld [tilespmem:$0x1F7F0];
	v60 =	vand.u32 $0x7F, v34;
	v34 =	vand.u32 $0xFFFFFF80, v34;
	[tilespmem:$0x1F900] =	vst v2;
	v2 =	vand.u32 $0xFFFFFF80, v41  }
0x1b9: {  	[tilespmem:$0x1FA50] =	vst v14;
	v29 =	vand.u32 $0xFFFFFF80, v5;
	v46 =	vld.idx.msk [tilespmem:v46+s18+$0x0], $0xffff;
	v41 =	vand.u32 $0x7F, v41;
	v2 =	vadd.s32 v45, v2  }
0x1ba: {  	v14 =	vld [tilespmem:$0x1FE70];
	[tilespmem:$0x1FA40] =	vst v8;
	v8 =	vmovc v63;
	v63 =	vand.u32 $0xFFFFFF80, v59;
	v31 =	vadd.f32 v32, v31;
	v2 =	vor.u32 v41, v2  }
0x1bb: {  	v5 =	vand.u32 $0xFFFFFF80, v15;
	v15 =	vand.u32 $0xFFFFFF80, v47;
	v32 =	vld.idx.msk [tilespmem:v57+s18+$0x0], $0xffff;
	v41 =	vadd.s32 v1, v61  }
0x1bc: {  	[tilespmem:$0x1F9D0] =	vst v9;
	v9 =	vmovc v45;
	v45 =	vand.u32 $0xFFFFFF80, v0;
	v31 =	vadd.f32 v51, v31;
	v0 =	vld [tilespmem:$0x1FE20];
	v33 =	vor.u32 v33, v41  }
0x1bd: {  	v47 =	vand.u32 $0x7F, v59;
	v59 =	vand.u32 $0xFFFFFF80, v11;
	v36 =	vld.idx.msk [tilespmem:v36+s18+$0x0], $0xffff;
	v41 =	vadd.s32 v56, v63  }
0x1be: {  	v61 =	vand.u32 $0x7F, v11;
	v11 =	vld [tilespmem:$0x1F810];
	v31 =	vadd.f32 v46, v31;
	v41 =	vor.u32 v47, v41  }
0x1bf: {  	v34 =	vadd.s32 v14, v34;
	v57 =	vand.u32 $0x7F, v27;
	v27 =	vand.u32 $0xFFFFFF80, v27;
	v2 =	vld.idx.msk [tilespmem:v2+s18+$0x0], $0xffff  }
0x1c0: {  	v34 =	vor.u32 v60, v34;
	v27 =	vadd.s32 v13, v27;
	v47 =	vld [tilespmem:$0x1F800];
	v31 =	vadd.f32 v32, v31  }
0x1c1: {  	v27 =	vor.u32 v57, v27;
	v57 =	vand.u32 $0x7F, v17;
	v60 =	vadd.s32 v0, v40;
	v32 =	vld.idx.msk [tilespmem:v33+s18+$0x0], $0xffff  }
0x1c2: {  	v40 =	vand.u32 $0xFFFFFF80, v17;
	v31 =	vadd.f32 v36, v31;
	v17 =	vor.u32 v4, v60;
	v60 =	vld [tilespmem:$0x1FDC0]  }
0x1c3: {  	v36 =	vld.idx.msk [tilespmem:v41+s18+$0x0], $0xffff  }
0x1c4: {  	v2 =	vadd.f32 v2, v31  }
0x1c5: {  	[tilespmem:$0x1FB20] =	vst v42;
	v42 =	vand.u32 $0x7F, v43;
	v43 =	vand.u32 $0xFFFFFF80, v43  }
0x1c6: {  	v63 =	vand.u32 $0xFFFFFF80, v54;
	v51 =	vadd.s32 v47, v59;
	v2 =	vadd.f32 v32, v2  }
0x1c7: {  	v46 =	vor.u32 v61, v51;
	v51 =	vadd.s32 v11, v63;
	v63 =	vadd.s32 v60, v43  }
0x1c8: {  	v2 =	vadd.f32 v36, v2;
	v36 =	vor.u32 v42, v63;
	v42 =	vld [tilespmem:$0x1FD70];
	_ =	sdelay $0x4  }
0x1c9: {  	v59 =	vand.u32 $0x7F, v54;
	v4 =	vadd.s32 v42, v5  }
0x1ca: {  	v33 =	vor.u32 v59, v51;
	v5 =	vor.u32 v7, v4;
	v4 =	vld [tilespmem:$0x1F820]  }
0x1cb: {  	v7 =	vld [tilespmem:$0x1F830];
	_ =	sdelay $0x1  }
0x1cc: {  	v46 =	vld.idx.msk [tilespmem:v46+s18+$0x0], $0xffff  }
0x1cd: {  	v27 =	vld.idx.msk [tilespmem:v27+s18+$0x0], $0xffff  }
0x1ce: {  	v32 =	vld.idx.msk [tilespmem:v33+s18+$0x0], $0xffff  }
0x1cf: {  	v59 =	vld [tilespmem:$0x1FCC0];
	v4 =	vor.u32 v4, v7  }
0x1d0: {  	[tilespmem:$0x1FA80] =	vst v4;
	v4 =	vld [tilespmem:$0x1F840]  }
0x1d1: {  	v2 =	vadd.f32 v46, v2;
	v46 =	vld [tilespmem:$0x1F870]  }
0x1d2: {  	v34 =	vld.idx.msk [tilespmem:v34+s18+$0x0], $0xffff  }
0x1d3: {  	v44 =	vand.u32 $0xFFFFFF80, v50;
	v50 =	vmov v26;
	v26 =	vld [tilespmem:$0x1FD10];
	v2 =	vadd.f32 v32, v2  }
0x1d4: {  	v48 =	vand.u32 $0x7F, v55;
	v54 =	vand.u32 $0xFFFFFF80, v55;
	v17 =	vld.idx.msk [tilespmem:v17+s18+$0x0], $0xffff  }
0x1d5: {  	v2 =	vadd.f32 v27, v2;
	v27 =	vadd.s32 v59, v29;
	v4 =	vor.u32 v4, v25;
	v25 =	vld.idx.msk [tilespmem:v36+s18+$0x0], $0xffff  }
0x1d6: {  	v55 =	vand.u32 $0x7F, v18;
	v18 =	vand.u32 $0xFFFFFF80, v18;
	v27 =	vor.u32 v46, v27;
	[tilespmem:$0x1FAB0] =	vst v4;
	v4 =	vld [tilespmem:$0x1FC30]  }
0x1d7: {  	v18 =	vadd.s32 v1, v18;
	v46 =	vmov v1;
	v1 =	vld [tilespmem:$0x1F890];
	v2 =	vadd.f32 v34, v2  }
0x1d8: {  	v23 =	vand.u32 $0x7F, v6;
	v6 =	vand.u32 $0xFFFFFF80, v6  }
0x1d9: {  	v6 =	vadd.s32 v26, v6;
	v2 =	vadd.f32 v17, v2  }
0x1da: {  	v20 =	vand.u32 $0xFFFFFF80, v20;
	v6 =	vor.u32 v23, v6;
	v23 =	vld [tilespmem:$0x1F850]  }
0x1db: {  	v2 =	vadd.f32 v25, v2;
	v25 =	vld.idx.msk [tilespmem:v27+s18+$0x0], $0xffff;
	v20 =	vadd.s32 v4, v20  }
0x1dc: {  	v27 =	vor.u32 v1, v20;
	v1 =	vld [tilespmem:$0x1F8A0];
	_ =	sdelay $0x3  }
0x1dd: {  	v33 =	vand.u32 $0x7F, v16;
	v16 =	vand.u32 $0xFFFFFF80, v16;
	v5 =	vld.idx.msk [tilespmem:v5+s18+$0x0], $0xffff;
	v23 =	vadd.s32 v4, v23  }
0x1de: {  	v32 =	vadd.s32 v42, v44;
	v44 =	vadd.s32 v8, v16;
	v16 =	vor.u32 v1, v23;
	v1 =	vld [tilespmem:$0x1F8B0];
	_ =	sdelay $0x1  }
0x1df: {  	v21 =	vand.u32 $0xFFFFFF80, v21  }
0x1e0: {  	v38 =	vand.u32 $0xFFFFFF80, v38;
	v63 =	vld [tilespmem:$0x1FC80];
	v21 =	vadd.s32 v59, v21  }
0x1e1: {  	v34 =	vadd.s32 v14, v45;
	v45 =	vmovc v14;
	v14 =	vmov v0;
	v36 =	vadd.s32 v0, v38;
	v0 =	vld [tilespmem:$0x1F880]  }
0x1e2: {  	v2 =	vadd.f32 v5, v2;
	v5 =	vor.u32 v1, v21;
	v1 =	vld [tilespmem:$0x1F8F0];
	_ =	sdelay $0x2  }
0x1e3: {  	v12 =	vand.u32 $0xFFFFFF80, v12;
	v7 =	vadd.s32 v63, v30  }
0x1e4: {  	v12 =	vadd.s32 v26, v12;
	v17 =	vld.idx.msk [tilespmem:v6+s18+$0x0], $0xffff;
	v0 =	vor.u32 v0, v7  }
0x1e5: {  	v12 =	vor.u32 v1, v12;
	v1 =	vld [tilespmem:$0x1F900];
	_ =	sdelay $0x3  }
0x1e6: {  	v20 =	vld.idx.msk [tilespmem:v0+s18+$0x0], $0xffff  }
0x1e7: {  	v21 =	vor.u32 v1, v36;
	v1 =	vadd.f32 v17, v2;
	_ =	sdelay $0x1  }
0x1e8: {  	v2 =	vadd.f32 v25, v1;
	_ =	sdelay $0x1  }
0x1e9: {  	v2 =	vadd.f32 v20, v2;
	_ =	sdelay $0x1  }
0x1ea: {  	[tilespmem:$0x1FBC0] =	vst v2;
	v2 =	vld [tilespmem:$0x1FFF0];
	_ =	sdelay $0x1  }
0x1eb: {  	[tilespmem:$0x1FB80] =	vst v8;
	v8 =	vld [tilespmem:$0x1F910]  }
0x1ec: {  	v41 =	vand.u32 $0xFFFFFF80, v52  }
0x1ed: {  	v51 =	vand.u32 $0x7F, v52;
	v52 =	vand.u32 $0xFFFFFF80, v49;
	v49 =	vand.u32 $0x7F, v49  }
0x1ee: {  	v7 =	vadd.s32 v11, v41;
	v41 =	vadd.s32 v47, v52;
	v2 =	vadd.s32 v2, v24  }
0x1ef: {  	v49 =	vor.u32 v49, v41;
	v20 =	vand.u32 $0x7F, v2  }
0x1f0: {  	v41 =	vor.u32 v51, v7;
	v7 =	vand.u32 $0xFFFFFF80, v8;
	[tilespmem:$0x1FC00] =	vst v20;
	v20 =	vand.u32 $0x7F, v8;
	v8 =	vld [tilespmem:$0x1FBE0];
	_ =	sdelay $0x2  }
0x1f1: {  	v17 =	vor.u32 v33, v44;
	v44 =	vmov v53;
	v53 =	vld [tilespmem:$0x1FFF0];
	_ =	sdelay $0x1  }
0x1f2: {  	v7 =	vadd.s32 v8, v7;
	v8 =	vld [tilespmem:$0x1F920]  }
0x1f3: {  	v2 =	vand.u32 $0xFFFFFF80, v2  }
0x1f4: {  	[tilespmem:$0x1FC10] =	vst v2  }
0x1f5: {  	[tilespmem:$0x1FBF0] =	vst v7;
	v7 =	vadd.s32 v53, v37  }
0x1f6: {  	[tilespmem:$0x1FBD0] =	vst v20;
	v2 =	vand.u32 $0x7F, v7  }
0x1f7: {  	[tilespmem:$0x1FC50] =	vst v2;
	v20 =	vand.u32 $0xFFFFFF80, v8;
	v2 =	vand.u32 $0x7F, v8  }
0x1f8: {  	[tilespmem:$0x1FC20] =	vst v2;
	v2 =	vadd.s32 v4, v20;
	v4 =	vld [tilespmem:$0x1F930];
	_ =	sdelay $0x2  }
0x1f9: {  	v7 =	vand.u32 $0xFFFFFF80, v7;
	[tilespmem:$0x1FC40] =	vst v2;
	v2 =	vadd.s32 v53, v35  }
0x1fa: {  	[tilespmem:$0x1FC60] =	vst v7;
	v7 =	vand.u32 $0x7F, v2  }
0x1fb: {  	[tilespmem:$0x1FCA0] =	vst v7;
	v20 =	vand.u32 $0xFFFFFF80, v4;
	v7 =	vand.u32 $0x7F, v4;
	v4 =	vld [tilespmem:$0x1F940];
	_ =	sdelay $0x1  }
0x1fc: {  	v43 =	vand.u32 $0x7F, v39;
	v39 =	vand.u32 $0xFFFFFF80, v39;
	[tilespmem:$0x1FC70] =	vst v7;
	v7 =	vadd.s32 v63, v20  }
0x1fd: {  	v39 =	vadd.s32 v50, v39;
	[tilespmem:$0x1FC90] =	vst v7;
	v7 =	vadd.s32 v53, v22  }
0x1fe: {  	v1 =	vor.u32 v43, v39;
	v43 =	vand.u32 $0xFFFFFF80, v2;
	v2 =	vand.u32 $0x7F, v7  }
0x1ff: {  	[tilespmem:$0x1FCE0] =	vst v2;
	v20 =	vand.u32 $0xFFFFFF80, v4;
	v2 =	vand.u32 $0x7F, v4;
	v4 =	vld [tilespmem:$0x1F950];
	_ =	sdelay $0x1  }
0x200: {  	[tilespmem:$0x1FCB0] =	vst v2;
	v2 =	vadd.s32 v59, v20  }
0x201: {  	v7 =	vand.u32 $0xFFFFFF80, v7;
	[tilespmem:$0x1FCD0] =	vst v2;
	v2 =	vadd.s32 v53, v28  }
0x202: {  	[tilespmem:$0x1FCF0] =	vst v7;
	v7 =	vand.u32 $0x7F, v2  }
0x203: {  	[tilespmem:$0x1FD40] =	vst v7;
	v20 =	vand.u32 $0xFFFFFF80, v4;
	v7 =	vand.u32 $0x7F, v4;
	v4 =	vld [tilespmem:$0x1F960];
	_ =	sdelay $0x1  }
0x204: {  	[tilespmem:$0x1FD00] =	vst v7;
	v7 =	vadd.s32 v26, v20  }
0x205: {  	v2 =	vand.u32 $0xFFFFFF80, v2;
	[tilespmem:$0x1FD20] =	vst v7;
	v7 =	vadd.s32 v53, v10  }
0x206: {  	[tilespmem:$0x1FD50] =	vst v2;
	v2 =	vand.u32 $0x7F, v7  }
0x207: {  	v29 =	vld [tilespmem:$0x1F860];
	v30 =	vadd.s32 v60, v15;
	v15 =	vmovc v60;
	v60 =	vmovc v42;
	[tilespmem:$0x1FD90] =	vst v2;
	v10 =	vand.u32 $0xFFFFFF80, v4;
	v2 =	vand.u32 $0x7F, v4  }
0x208: {  	v0 =	vld [tilespmem:$0x1F8C0];
	[tilespmem:$0x1FD60] =	vst v2;
	v2 =	vadd.s32 v60, v10  }
0x209: {  	[tilespmem:$0x1FD80] =	vst v2;
	v2 =	vld [tilespmem:$0x1F970]  }
0x20a: {  	v4 =	vld [tilespmem:$0x1F9A0];
	_ =	sdelay $0x1  }
0x20b: {  	v29 =	vadd.s32 v63, v29;
	_ =	sdelay $0x1  }
0x20c: {  	v2 =	vand.u32 $0xFFFFFF80, v2  }
0x20d: {  	v6 =	vor.u32 v0, v29;
	v29 =	vmov v4;
	v2 =	vadd.s32 v4, v2;
	v4 =	vld [tilespmem:$0x1F9B0];
	_ =	sdelay $0x3  }
0x20e: {  	v8 =	vld [tilespmem:$0x1F980];
	v7 =	vand.u32 $0xFFFFFF80, v7  }
0x20f: {  	[tilespmem:$0x1FDA0] =	vst v7;
	v7 =	vadd.s32 v53, v4;
	v4 =	vld [tilespmem:$0x1F9C0];
	_ =	sdelay $0x3  }
0x210: {  	v40 =	vadd.s32 v9, v40  }
0x211: {  	[tilespmem:$0x1FBA0] =	vst v9;
	v9 =	vand.u32 $0xFFFFFF80, v8;
	v22 =	vor.u32 v4, v2;
	v2 =	vand.u32 $0x7F, v7  }
0x212: {  	[tilespmem:$0x1FDF0] =	vst v2;
	v2 =	vadd.s32 v15, v9  }
0x213: {  	[tilespmem:$0x1FDD0] =	vst v2;
	v2 =	vld [tilespmem:$0x1F9D0];
	_ =	sdelay $0x1  }
0x214: {  	v4 =	vld [tilespmem:$0x1F9E0];
	_ =	sdelay $0x2  }
0x215: {  	v7 =	vand.u32 $0xFFFFFF80, v7;
	v2 =	vadd.s32 v53, v2  }
0x216: {  	[tilespmem:$0x1FE00] =	vst v7;
	v7 =	vand.u32 $0x7F, v2  }
0x217: {  	v10 =	vand.u32 $0x7F, v8;
	v8 =	vand.u32 $0xFFFFFF80, v4;
	[tilespmem:$0x1FE40] =	vst v7;
	v7 =	vand.u32 $0x7F, v4;
	v4 =	vld [tilespmem:$0x1F9F0];
	_ =	sdelay $0x4  }
0x218: {  	[tilespmem:$0x1FE10] =	vst v7;
	v7 =	vadd.s32 v14, v8;
	v8 =	vadd.s32 v53, v4;
	v4 =	vld [tilespmem:$0x1FA00];
	_ =	sdelay $0x2  }
0x219: {  	v2 =	vand.u32 $0xFFFFFF80, v2  }
0x21a: {  	[tilespmem:$0x1FE50] =	vst v2;
	v2 =	vand.u32 $0x7F, v8  }
0x21b: {  	[tilespmem:$0x1FE90] =	vst v2;
	v9 =	vand.u32 $0xFFFFFF80, v4;
	v2 =	vand.u32 $0x7F, v4  }
0x21c: {  	[tilespmem:$0x1FE60] =	vst v2;
	v2 =	vadd.s32 v45, v9  }
0x21d: {  	[tilespmem:$0x1FE80] =	vst v2;
	v2 =	vld [tilespmem:$0x1FA10];
	_ =	sdelay $0x1  }
0x21e: {  	[tilespmem:$0x1FE30] =	vst v7;
	v7 =	vld [tilespmem:$0x1FA20];
	_ =	sdelay $0x2  }
0x21f: {  	v4 =	vand.u32 $0xFFFFFF80, v8;
	v2 =	vadd.s32 v53, v2  }
0x220: {  	[tilespmem:$0x1FEA0] =	vst v4;
	v4 =	vand.u32 $0x7F, v2  }
0x221: {  	v9 =	vand.u32 $0xFFFFFF80, v7;
	[tilespmem:$0x1FEE0] =	vst v4;
	v4 =	vand.u32 $0x7F, v7  }
0x222: {  	[tilespmem:$0x1FEB0] =	vst v4;
	v4 =	vadd.s32 v13, v9  }
0x223: {  	[tilespmem:$0x1FED0] =	vst v4;
	v4 =	vld [tilespmem:$0x1FA30];
	_ =	sdelay $0x4  }
0x224: {  	v8 =	vadd.s32 v53, v4;
	v4 =	vld [tilespmem:$0x1FA40];
	_ =	sdelay $0x2  }
0x225: {  	v0 =	vld [tilespmem:$0x1F8D0]  }
0x226: {  	v2 =	vand.u32 $0xFFFFFF80, v2  }
0x227: {  	[tilespmem:$0x1FEF0] =	vst v2;
	v9 =	vand.u32 $0xFFFFFF80, v4;
	v2 =	vand.u32 $0x7F, v4  }
0x228: {  	v4 =	vld [tilespmem:$0x1FA60];
	[tilespmem:$0x1FF00] =	vst v2;
	v2 =	vadd.s32 v11, v9  }
0x229: {  	v31 =	vand.u32 $0x7F, v19;
	v19 =	vand.u32 $0xFFFFFF80, v19;
	[tilespmem:$0x1FF10] =	vst v2;
	v2 =	vld [tilespmem:$0x1FA50]  }
0x22a: {  	v42 =	vadd.s32 v56, v19;
	v19 =	vor.u32 v0, v30;
	v0 =	vld [tilespmem:$0x1F8E0];
	_ =	sdelay $0x1  }
0x22b: {  	v38 =	vadd.s32 v13, v54;
	v52 =	vor.u32 v58, v34  }
0x22c: {  	v58 =	vor.u32 v48, v38;
	v9 =	vand.u32 $0xFFFFFF80, v4;
	v38 =	vand.u32 $0x7F, v4;
	v4 =	vld [tilespmem:$0x1FA80]  }
0x22d: {  	v2 =	vadd.s32 v53, v2  }
0x22e: {  	v0 =	vor.u32 v0, v32;
	v20 =	vand.u32 $0x7F, v2;
	v32 =	vand.u32 $0xFFFFFF80, v2;
	v2 =	vld [tilespmem:$0x1FAB0];
	_ =	sdelay $0x4  }
0x22f: {  	v7 =	vld [tilespmem:$0x1FAA0]  }
0x230: {  	v51 =	vld.idx.msk [tilespmem:v4+s18+$0x0], $0xffff  }
0x231: {  	v4 =	vld [tilespmem:$0x1FA90]  }
0x232: {  	[tilespmem:$0x1FB60] =	vst v50;
	v50 =	vor.u32 v55, v18;
	v34 =	vmov v47;
	v55 =	vadd.s32 v47, v9;
	v47 =	vld.idx.msk [tilespmem:v2+s18+$0x0], $0xffff  }
0x233: {  	v2 =	vld.idx.msk [tilespmem:v27+s18+$0x0], $0xffff;
	_ =	sdelay $0x1  }
0x234: {  	v18 =	vor.u32 v31, v42;
	v54 =	vor.u32 v57, v40;
	v31 =	vand.u32 $0x7F, v8  }
0x235: {  	v40 =	vand.u32 $0xFFFFFF80, v8;
	v8 =	vand.u32 $0xFFFFFF80, v7;
	v4 =	vadd.s32 v53, v4  }
0x236: {  	v13 =	vmovc v56;
	v23 =	vadd.s32 v56, v8;
	v63 =	vand.u32 $0x7F, v4;
	v56 =	vand.u32 $0xFFFFFF80, v4;
	v4 =	vld.idx.msk [tilespmem:v16+s18+$0x0], $0xffff  }
0x237: {  	[tilespmem:$0x1FF40] =	vst v2;
	v2 =	vld [tilespmem:$0x1FAC0];
	_ =	sdelay $0x4  }
0x238: {  	[tilespmem:$0x1FF50] =	vst v4;
	v4 =	vld.idx.msk [tilespmem:v6+s18+$0x0], $0xffff;
	v2 =	vadd.s32 v53, v2  }
0x239: {  	v27 =	vand.u32 $0x7F, v2;
	v37 =	vand.u32 $0xFFFFFF80, v2;
	v2 =	vld.idx.msk [tilespmem:v5+s18+$0x0], $0xffff;
	_ =	sdelay $0x3  }
0x23a: {  	[tilespmem:$0x1FF70] =	vst v4;
	v4 =	vld [tilespmem:$0x1FAF0]  }
0x23b: {  	[tilespmem:$0x1FFA0] =	vst v2;
	v2 =	vld [tilespmem:$0x1FB10];
	_ =	sdelay $0x1  }
0x23c: {  	v48 =	vld [tilespmem:$0x1FD30]  }
0x23d: {  	v42 =	vand.u32 $0x7F, v7;
	v7 =	vld [tilespmem:$0x1FAD0]  }
0x23e: {  	v25 =	vadd.s32 v53, v4;
	v4 =	vld [tilespmem:$0x1FB00]  }
0x23f: {  	p0 =	sne.s32 s30, $0x27F;
	v28 =	vadd.s32 v53, v2;
	v2 =	vld.idx.msk [tilespmem:v12+s18+$0x0], $0xffff  }
.Ltmp0:
0x240: {  	v35 =	vld [tilespmem:$0x1FBB0];
	(pc) =	sbr.rel @p0 .LBB2_3-.Ltmp0, $4  }
0x241: {  	[tilespmem:$0x1FDB0] =	vst v10;
	v10 =	vld [tilespmem:$0x1F990]  }
0x242: {  	v15 =	vld [tilespmem:$0x1FAE0];
	v8 =	vand.u32 $0xFFFFFF80, v7  }
0x243: {  	v61 =	vlaneseq.u32;
	v24 =	vand.u32 $0x7F, v7;
	v57 =	vadd.s32 v46, v8;
	v8 =	vld [tilespmem:$0x1FDE0]  }
0x244: {  	s30 =	sadd.s32 $0x14, s30;
	v59 =	vmovc v46;
	v9 =	vld [tilespmem:$0x1FA70];
	v26 =	vand.u32 $0xFFFFFF80, v25;
	v60 =	vand.u32 $0x7F, v4;
	v39 =	vand.u32 $0xFFFFFF80, v4;
	[tilespmem:$0x1FFC0] =	vst v2  }
0x245: {  	_ =	sdelay $0x2  }
0x246: {  	v33 =	vld [tilespmem:$0x1FB20]  }
0x247: {  	v0 =	vld.idx.msk [tilespmem:v0+s18+$0x0], $0xffff  }
0x248: {  	v12 =	vld [tilespmem:$0x1FB30]  }
0x249: {  	v19 =	vld.idx.msk [tilespmem:v19+s18+$0x0], $0xffff  }
0x24a: {  	v16 =	vld.idx.msk [tilespmem:v49+s18+$0x0], $0xffff  }
0x24b: {  	v18 =	vld.idx.msk [tilespmem:v18+s18+$0x0], $0xffff;
	v2 =	vand.u32 $0xFFFFFF80, v10  }
0x24c: {  	v17 =	vld.idx.msk [tilespmem:v17+s18+$0x0], $0xffff;
	v4 =	vand.u32 $0x7F, v10;
	v2 =	vadd.s32 v33, v2  }
0x24d: {  	v49 =	vld [tilespmem:$0x1FB40];
	v5 =	vand.u32 $0x7F, v9;
	v2 =	vor.u32 v4, v2;
	v4 =	vadd.s32 v12, v15  }
0x24e: {  	v4 =	vor.u32 v5, v4;
	v5 =	vld.idx.msk [tilespmem:v21+s18+$0x0], $0xffff  }
0x24f: {  	v6 =	vadd.s32 v3, v8;
	v45 =	vadd.s32 v53, v8;
	v21 =	vld.idx.msk [tilespmem:v41+s18+$0x0], $0xffff  }
0x250: {  	v46 =	vand.u32 $0xFFFFFF80, v6;
	v7 =	vand.u32 $0xFFFFFF80, v45;
	v41 =	vld [tilespmem:$0x1FF80]  }
0x251: {  	v14 =	vadd.s32 v3, v35;
	v9 =	vadd.s32 v12, v46;
	v10 =	vadd.s32 v12, v7;
	v12 =	vld.idx.msk [tilespmem:v52+s18+$0x0], $0xffff  }
0x252: {  	v35 =	vadd.s32 v53, v35;
	v30 =	vand.u32 $0xFFFFFF80, v14;
	v52 =	vld.idx.msk [tilespmem:v50+s18+$0x0], $0xffff  }
0x253: {  	v36 =	vand.u32 $0xFFFFFF80, v35;
	v6 =	vand.u32 $0x7F, v6;
	v8 =	vand.u32 $0x7F, v45;
	v50 =	vld [tilespmem:$0x1FF90]  }
0x254: {  	v1 =	vld.idx.msk [tilespmem:v1+s18+$0x0], $0xffff;
	v7 =	vadd.s32 v33, v30;
	v30 =	vadd.s32 v33, v36;
	v6 =	vor.u32 v6, v9  }
0x255: {  	v22 =	vld.idx.msk [tilespmem:v22+s18+$0x0], $0xffff;
	v8 =	vor.u32 v8, v10;
	v10 =	vand.u32 $0x7F, v35;
	v45 =	vadd.s32 v3, v41  }
0x256: {  	v33 =	vld.idx.msk [tilespmem:v54+s18+$0x0], $0xffff;
	v9 =	vand.u32 $0x7F, v14;
	v10 =	vor.u32 v10, v30;
	v30 =	vand.u32 $0xFFFFFF80, v45  }
0x257: {  	v15 =	vld.idx.msk [tilespmem:v58+s18+$0x0], $0xffff;
	v9 =	vor.u32 v9, v7;
	v46 =	vand.u32 $0x7F, v45;
	v30 =	vadd.s32 v49, v30  }
0x258: {  	v54 =	vand.u32 $0xFFFFFF80, v50;
	v30 =	vor.u32 v46, v30;
	v46 =	vand.u32 $0x7F, v50;
	v50 =	vld [tilespmem:$0x1FFB0]  }
0x259: {  	v2 =	vld.idx.msk [tilespmem:v2+s17+$0x0], $0xffff  }
0x25a: {  	v6 =	vld.idx.msk [tilespmem:v6+s18+$0x0], $0xffff  }
0x25b: {  	v24 =	vor.u32 v24, v57;
	v58 =	vadd.s32 v53, v44;
	v4 =	vld.idx.msk [tilespmem:v4+s18+$0x0], $0xffff  }
0x25c: {  	v44 =	vand.u32 $0xFFFFFF80, v58;
	v7 =	vadd.s32 v53, v41;
	v35 =	vadd.s32 v49, v54;
	v9 =	vld.idx.msk [tilespmem:v9+s17+$0x0], $0xffff  }
0x25d: {  	v35 =	vor.u32 v46, v35;
	v45 =	vand.u32 $0xFFFFFF80, v50;
	v46 =	vand.u32 $0x7F, v50;
	v50 =	vld [tilespmem:$0x1FFD0]  }
0x25e: {  	v44 =	vadd.s32 v29, v44;
	v36 =	vand.u32 $0xFFFFFF80, v7;
	v54 =	vadd.s32 v29, v45;
	v29 =	vld [tilespmem:$0x1FB60]  }
0x25f: {  	v23 =	vor.u32 v42, v23;
	v7 =	vand.u32 $0x7F, v7;
	v36 =	vadd.s32 v49, v36;
	v30 =	vld.idx.msk [tilespmem:v30+s18+$0x0], $0xffff  }
0x260: {  	v32 =	vadd.s32 v34, v32;
	v57 =	vld [tilespmem:$0x1FF00];
	v49 =	vadd.s32 v53, v48;
	v14 =	vor.u32 v7, v36  }
0x261: {  	v42 =	vld [tilespmem:$0x1FE40];
	v36 =	vand.u32 $0x7F, v58;
	v58 =	vand.u32 $0xFFFFFF80, v49;
	v41 =	vand.u32 $0x7F, v49  }
0x262: {  	v8 =	vld.idx.msk [tilespmem:v8+s18+$0x0], $0xffff;
	v36 =	vor.u32 v36, v44;
	v6 =	vadd.f32 v6, v9;
	v2 =	vadd.f32 v4, v2  }
0x263: {  	v10 =	vld.idx.msk [tilespmem:v10+s17+$0x0], $0xffff;
	v44 =	vor.u32 v46, v54;
	v54 =	vand.u32 $0xFFFFFF80, v50;
	v45 =	vadd.s32 v29, v58  }
0x264: {  	v4 =	vadd.f32 v30, v6;
	v41 =	vor.u32 v41, v45;
	v45 =	vadd.s32 v29, v54;
	v29 =	vld [tilespmem:$0x1FB80]  }
0x265: {  	v20 =	vor.u32 v20, v32;
	v32 =	vld [tilespmem:$0x1FE70]  }
0x266: {  	v14 =	vld.idx.msk [tilespmem:v14+s18+$0x0], $0xffff;
	v4 =	vadd.f32 v22, v4  }
0x267: {  	v37 =	vadd.s32 v59, v37;
	v59 =	vld.idx.msk [tilespmem:v24+s18+$0x0], $0xffff  }
0x268: {  	v7 =	vand.u32 $0xFFFFFF80, v28;
	v36 =	vld.idx.msk [tilespmem:v36+s18+$0x0], $0xffff;
	v1 =	vadd.f32 v1, v4  }
0x269: {  	v8 =	vadd.f32 v8, v10;
	v46 =	vadd.s32 v29, v7;
	v7 =	vld [tilespmem:$0x1FF60]  }
0x26a: {  	v30 =	vld [tilespmem:$0x1FED0];
	v1 =	vadd.f32 v17, v1  }
0x26b: {  	v8 =	vadd.f32 v14, v8;
	v58 =	vand.u32 $0x7F, v50;
	v50 =	vld.idx.msk [tilespmem:v35+s18+$0x0], $0xffff  }
0x26c: {  	v1 =	vadd.f32 v33, v1;
	v33 =	vld [tilespmem:$0x1FEA0]  }
0x26d: {  	v8 =	vadd.f32 v36, v8;
	v36 =	vld [tilespmem:$0x1FE90];
	v45 =	vor.u32 v58, v45;
	v58 =	vand.u32 $0x7F, v28  }
0x26e: {  	v28 =	vor.u32 v58, v46;
	v1 =	vadd.f32 v52, v1;
	v52 =	vld [tilespmem:$0x1FDB0];
	v54 =	vand.u32 $0xFFFFFF80, v7  }
0x26f: {  	v48 =	vadd.s32 v29, v54;
	v54 =	vld [tilespmem:$0x1FBA0]  }
0x270: {  	v29 =	vld [tilespmem:$0x1FEB0]  }
0x271: {  	v34 =	vadd.s32 v32, v33;
	v32 =	vld [tilespmem:$0x1FCE0]  }
0x272: {  	v7 =	vand.u32 $0x7F, v7;
	v33 =	vld [tilespmem:$0x1FCB0]  }
0x273: {  	v46 =	vor.u32 v7, v48;
	v48 =	vld.idx.msk [tilespmem:v28+s18+$0x0], $0xffff  }
0x274: {  	v28 =	vld [tilespmem:$0x1FEE0]  }
0x275: {  	v7 =	vor.u32 v36, v34;
	v34 =	vld [tilespmem:$0x1FCD0]  }
0x276: {  	v36 =	vld [tilespmem:$0x1FCA0]  }
0x277: {  	v35 =	vadd.s32 v54, v39;
	v39 =	vld.idx.msk [tilespmem:v41+s18+$0x0], $0xffff  }
0x278: {  	v41 =	vor.u32 v27, v37;
	v37 =	vld [tilespmem:$0x1FE60]  }
0x279: {  	v26 =	vadd.s32 v54, v26;
	v54 =	vor.u32 v38, v55;
	v38 =	vld [tilespmem:$0x1FE80]  }
0x27a: {  	v55 =	vadd.s32 v11, v40;
	v40 =	vld [tilespmem:$0x1FE50]  }
0x27b: {  	v27 =	vld [tilespmem:$0x1FD20]  }
0x27c: {  	v58 =	vor.u32 v60, v35;
	v60 =	vld.idx.msk [tilespmem:v44+s18+$0x0], $0xffff  }
0x27d: {  	v44 =	vld.idx.msk [tilespmem:v45+s18+$0x0], $0xffff  }
0x27e: {  	v2 =	vadd.f32 v50, v2;
	v50 =	vld.idx.msk [tilespmem:v46+s18+$0x0], $0xffff  }
0x27f: {  	v35 =	vld.idx.msk [tilespmem:v20+s18+$0x0], $0xffff  }
0x280: {  	v46 =	vld [tilespmem:$0x1FDC0]  }
0x281: {  	v25 =	vand.u32 $0x7F, v25;
	v7 =	vld.idx.msk [tilespmem:v7+s18+$0x0], $0xffff  }
0x282: {  	v25 =	vor.u32 v25, v26;
	v45 =	vadd.s32 v13, v56;
	v26 =	vld [tilespmem:$0x1FD00]  }
0x283: {  	v49 =	vor.u32 v63, v45;
	v63 =	vld [tilespmem:$0x1FEF0]  }
0x284: {  	v45 =	vld [tilespmem:$0x1FE30]  }
0x285: {  	v56 =	vld.idx.msk [tilespmem:v41+s18+$0x0], $0xffff  }
0x286: {  	v6 =	vadd.f32 v39, v8;
	v8 =	vld.idx.msk [tilespmem:v54+s18+$0x0], $0xffff  }
0x287: {  	v39 =	vld [tilespmem:$0x1FE20]  }
0x288: {  	v54 =	vld [tilespmem:$0x1FDD0]  }
0x289: {  	v11 =	vor.u32 v37, v38;
	v37 =	vld [tilespmem:$0x1FC70]  }
0x28a: {  	v38 =	vld [tilespmem:$0x1FC90]  }
0x28b: {  	v4 =	vld.idx.msk [tilespmem:v25+s18+$0x0], $0xffff  }
0x28c: {  	v10 =	vld.idx.msk [tilespmem:v58+s18+$0x0], $0xffff  }
0x28d: {  	v58 =	vld [tilespmem:$0x1FF10]  }
0x28e: {  	v2 =	vadd.f32 v60, v2;
	v60 =	vld [tilespmem:$0x1FEC0]  }
0x28f: {  	v25 =	vor.u32 v31, v55;
	v31 =	vld.idx.msk [tilespmem:v23+s18+$0x0], $0xffff  }
0x290: {  	v55 =	vld [tilespmem:$0x1FD70]  }
0x291: {  	v22 =	vld.idx.msk [tilespmem:v49+s18+$0x0], $0xffff  }
0x292: {  	v6 =	vadd.f32 v48, v6;
	v48 =	vld [tilespmem:$0x1FE00];
	v2 =	vadd.f32 v44, v2  }
0x293: {  	v44 =	vld [tilespmem:$0x1FE10]  }
0x294: {  	v2 =	vadd.f32 v50, v2;
	v50 =	vld [tilespmem:$0x1FDF0]  }
0x295: {  	v11 =	vld.idx.msk [tilespmem:v11+s18+$0x0], $0xffff  }
0x296: {  	v17 =	vadd.s32 v39, v40;
	v40 =	vld [tilespmem:$0x1FC30]  }
0x297: {  	v41 =	vld.idx.msk [tilespmem:v25+s18+$0x0], $0xffff  }
0x298: {  	v9 =	vor.u32 v57, v58;
	v57 =	vld [tilespmem:$0x1FD90]  }
0x299: {  	v58 =	vld [tilespmem:$0x1FD60]  }
0x29a: {  	v13 =	vadd.s32 v60, v63;
	v60 =	vld [tilespmem:$0x1FD10]  }
0x29b: {  	v63 =	vld [tilespmem:$0x1FD50]  }
0x29c: {  	v25 =	vld [tilespmem:$0x1FD40]  }
0x29d: {  	v4 =	vadd.f32 v4, v6;
	v6 =	vor.u32 v29, v30;
	v29 =	vld [tilespmem:$0x1FCC0]  }
0x29e: {  	v30 =	vld [tilespmem:$0x1FCF0]  }
0x29f: {  	v17 =	vor.u32 v42, v17;
	v42 =	vld [tilespmem:$0x1FC50]  }
0x2a0: {  	v20 =	vadd.s32 v46, v48;
	v46 =	vld [tilespmem:$0x1FC10]  }
0x2a1: {  	v48 =	vld [tilespmem:$0x1FC00]  }
0x2a2: {  	v2 =	vadd.f32 v10, v2;
	v10 =	vor.u32 v52, v54;
	v52 =	vld [tilespmem:$0x1FFC0]  }
0x2a3: {  	v54 =	vld [tilespmem:$0x1FFA0]  }
0x2a4: {  	v4 =	vadd.f32 v56, v4;
	v56 =	vld [tilespmem:$0x1FDA0]  }
0x2a5: {  	v1 =	vadd.f32 v18, v1;
	v18 =	vor.u32 v44, v45;
	v44 =	vld [tilespmem:$0x1FC40]  }
0x2a6: {  	v24 =	vor.u32 v28, v13;
	v45 =	vld [tilespmem:$0x1FBE0]  }
0x2a7: {  	v2 =	vadd.f32 v59, v2;
	v59 =	vld [tilespmem:$0x1FD80]  }
0x2a8: {  	v1 =	vadd.f32 v16, v1;
	v16 =	vor.u32 v50, v20;
	v50 =	vld [tilespmem:$0x1FBF0]  }
0x2a9: {  	v9 =	vld.idx.msk [tilespmem:v9+s18+$0x0], $0xffff  }
0x2aa: {  	v13 =	vor.u32 v26, v27;
	v4 =	vadd.f32 v22, v4;
	v6 =	vld.idx.msk [tilespmem:v6+s18+$0x0], $0xffff  }
0x2ab: {  	v2 =	vadd.f32 v31, v2;
	v49 =	vld.idx.msk [tilespmem:v24+s18+$0x0], $0xffff  }
0x2ac: {  	v1 =	vadd.f32 v21, v1;
	v4 =	vadd.f32 v35, v4;
	v24 =	vld.idx.msk [tilespmem:v17+s18+$0x0], $0xffff  }
0x2ad: {  	v35 =	vld [tilespmem:$0x1FC80];
	v20 =	vadd.s32 v55, v56;
	v2 =	vadd.f32 v8, v2  }
0x2ae: {  	v1 =	vadd.f32 v15, v1;
	v10 =	vld.idx.msk [tilespmem:v10+s18+$0x0], $0xffff;
	v8 =	vor.u32 v57, v20;
	v4 =	vadd.f32 v41, v4  }
0x2af: {  	v13 =	vld.idx.msk [tilespmem:v13+s18+$0x0], $0xffff;
	v14 =	vor.u32 v58, v59;
	v20 =	vadd.s32 v60, v63;
	v2 =	vadd.f32 v9, v2  }
0x2b0: {  	v28 =	vld.idx.msk [tilespmem:v18+s18+$0x0], $0xffff;
	v15 =	vor.u32 v25, v20;
	v4 =	vadd.f32 v49, v4  }
0x2b1: {  	v1 =	vadd.f32 v12, v1;
	v18 =	vadd.s32 v29, v30;
	v31 =	vld.idx.msk [tilespmem:v16+s18+$0x0], $0xffff;
	v2 =	vadd.f32 v6, v2  }
0x2b2: {  	v12 =	vor.u32 v32, v18;
	v16 =	vadd.s32 v35, v43;
	v43 =	vld [tilespmem:$0x1FC20];
	v4 =	vadd.f32 v7, v4  }
0x2b3: {  	v1 =	vadd.f32 v5, v1;
	v7 =	vor.u32 v33, v34;
	v5 =	vld.idx.msk [tilespmem:v8+s18+$0x0], $0xffff;
	v2 =	vadd.f32 v11, v2  }
0x2b4: {  	v39 =	vld.idx.msk [tilespmem:v14+s18+$0x0], $0xffff;
	v4 =	vadd.f32 v24, v4  }
0x2b5: {  	v1 =	vadd.f32 v19, v1;
	v9 =	vor.u32 v37, v38;
	v15 =	vld.idx.msk [tilespmem:v15+s18+$0x0], $0xffff;
	v2 =	vadd.f32 v28, v2  }
0x2b6: {  	v41 =	vld [tilespmem:$0x1FC60];
	v4 =	vadd.f32 v31, v4  }
0x2b7: {  	v0 =	vadd.f32 v0, v1;
	v1 =	vld.idx.msk [tilespmem:v12+s18+$0x0], $0xffff;
	v6 =	vor.u32 v43, v44;
	v2 =	vadd.f32 v10, v2  }
0x2b8: {  	v4 =	vadd.f32 v5, v4;
	v5 =	vld.idx.msk [tilespmem:v7+s18+$0x0], $0xffff  }
0x2b9: {  	v56 =	vld [tilespmem:$0x1FBC0];
	v2 =	vadd.f32 v39, v2  }
0x2ba: {  	v9 =	vld.idx.msk [tilespmem:v9+s18+$0x0], $0xffff;
	v4 =	vadd.f32 v15, v4  }
0x2bb: {  	v49 =	vld [tilespmem:$0x1FBD0];
	v8 =	vor.u32 v36, v16;
	v2 =	vadd.f32 v13, v2  }
0x2bc: {  	v14 =	vadd.s32 v40, v41;
	v1 =	vadd.f32 v1, v4;
	v4 =	vld.idx.msk [tilespmem:v6+s18+$0x0], $0xffff  }
0x2bd: {  	v57 =	vld [tilespmem:$0x1FF40];
	v14 =	vor.u32 v42, v14;
	v2 =	vadd.f32 v5, v2  }
0x2be: {  	v59 =	vld [tilespmem:$0x1FF50];
	v16 =	vadd.s32 v45, v46  }
0x2bf: {  	v10 =	vor.u32 v48, v16;
	v5 =	vld [tilespmem:$0x1FF70];
	v2 =	vadd.f32 v9, v2  }
0x2c0: {  	v0 =	vadd.f32 v52, v0;
	v8 =	vld.idx.msk [tilespmem:v8+s18+$0x0], $0xffff;
	v7 =	vor.u32 v49, v50  }
0x2c1: {  	v2 =	vadd.f32 v4, v2;
	v4 =	vld [tilespmem:$0x1FFE0]  }
0x2c2: {  	v0 =	vadd.f32 v54, v0;
	v55 =	vld.idx.msk [tilespmem:v14+s18+$0x0], $0xffff;
	_ =	sdelay $0x1  }
0x2c3: {  	v0 =	vadd.f32 v5, v0;
	v5 =	vld.idx.msk [tilespmem:v10+s18+$0x0], $0xffff  }
0x2c4: {  	v58 =	vor.u32 s11, v3;
	v6 =	vadd.f32 v57, v56;
	v7 =	vld.idx.msk [tilespmem:v7+s18+$0x0], $0xffff;
	v1 =	vadd.f32 v8, v1  }
0x2c5: {  	v60 =	vor.u32 s11, v53;
	v0 =	vadd.f32 v59, v0  }
0x2c6: {  	v63 =	vor.u32 s11, v62;
	v6 =	vadd.f32 v51, v6;
	v1 =	vadd.f32 v55, v1  }
0x2c7: {  	v0 =	vadd.f32 v47, v0  }
0x2c8: {  	v1 =	vadd.f32 v5, v1;
	[tilespmem:v4+s29+$0x0] =	vst.idx.msk $0xffff, v6  }
0x2c9: {  	s31 =	sadd.s32 $0x1, s31;
	[tilespmem:v58+s29+$0x0] =	vst.idx.msk $0xffff, v0;
	v0 =	vadd.f32 v7, v2  }
0x2ca: {  	s0 =	sshll.u32 s0, $0x3;
	s1 =	rddreg [dreg:$0x1];
	p0 =	sne.s32 s31, $0x10;
	[tilespmem:v60+s29+$0x0] =	vst.idx.msk $0xffff, v1  }
.Ltmp1:
0x2cb: {  	s30 =	simm.s32 $0x0;
	s0 =	sadd.s32 s1, s0;
	[tilespmem:v63+s29+$0x0] =	vst.idx.msk $0xffff, v0;
	(pc) =	sbr.rel @p0 .LBB2_2-.Ltmp1, $4  }
0x2cc: {  	[hbm4b:s0+s30] =	stream.linear.scatter [tilespmem:s29], [sflag:$0x2], $0x800, $0x38;
	[tilespmem:$0x15E00] =	vst v63  }
0x2cd: {  	_ =	swait.ge [sflag:s12], $0x800  }
0x2ce: {  	[sflag:s12] =	ssyncset.done $0x0  }
0x2cf: {  	[sflag:s12] =	ssyncadd.s32 $0xFFFFF800  }
0x2d0: {  	s1 =	rddreg [dreg:$0x4]  }
0x2d1: {  	s0 =	rddreg [dreg:$0x3];
	s1 =	sadd.s32 $0x1, s1  }
0x2d2: {  	p0 =	sne.s32 s1, s0  }
.Ltmp2:
0x2d3: {  	_ = 	snop;
	(pc) =	sbr.rel @p0 .LBB2_1-.Ltmp2, $1  }
0x2d4: {  	_ =	sdelay $0x3  }
0x2d5: {  	_ =	sfence.sel $0x180000  }
0x2d6: {  	[bflag:$0x0] =	sbarrier.arrive $0xFFFF  }
0x2d7: {  	_ =	strace $0x90000047  }
0x2d8: {  	s0 =	stileid.u32;
	[bflag:$0x2] =	sbarrier.arrive $0xFFFF  }
0x2d9: {  	p0 =	sne.s32 s0, $0x0;
	s0 =	rddreg [dreg:$0x2]  }
0x2da: {  	s0 =	sadd.s32 @!p0 $0x100000, s0  }
0x2db: {  	[sflag:s0] =	ssyncadd.tile.s32 @!p0 $0x1;
	_ =	shalt  }
.Lfunc_end2:
_tile_overlayer_lowered:
.L_overlay_start_2:
0x2dc: {  	(tag) =	ssettag $0x2  }
0x2dd: {  	s0 =	rddreg [dreg:$0x0];
	s2 =	stileid.u32  }
0x2de: {  	s1 =	rddreg [dreg:$0x1];
	p0 =	sne.s32 s2, $0x0  }
0x2df: {  	s3 =	rddreg [dreg:$0x2];
	[bflag:$0x3] =	sbarrier.arrive $0xFFFF;
	s2 =	simm.s32 @!p0 $0x1C02  }
0x2e0: {  	[timem:s3], [sflag:s2] =	dma.local @!p0 [hbm:s0], s1  }
0x2e1: {  	s0 =	simm.s32 @!p0 $0x2  }
0x2e2: {  	_ =	swait.ge @!p0 [sflag:s0], s1  }
0x2e3: {  	s1 =	ssub.s32 @!p0 $0x0, s1;
	[sflag:s0] =	ssyncset.done @!p0 $0x0  }
0x2e4: {  	[sflag:s0] =	ssyncadd.s32 @!p0 s1  }
0x2e5: {  	[bflag:$0x3] =	sbarrier.arrive $0xFFFF  }
0x2e6: {  	_ =	shalt  }

</sc_bundles>
